<compile_context>
chip_gen: v7x
topology: tpu7x:2x2x1
jax: 0.10.2.dev20260603
libtpu: 0.0.44.dev20260713+nightly
codegen_flags: <defaults>
</compile_context>

<pallas_src>
import functools

import jax
import jax.numpy as jnp
from jax import lax
from jax.experimental import pallas as pl
from jax.experimental.pallas import tpu as pltpu
from jax.experimental.pallas import tpu_sc as plsc

N = 10000
E = 160000
D = 128
G = 64
MPNN_STEPS = 128
S2S_STEPS = 3

NC = 2
NS = 16
CH = 128
NCH = 40
EPT = CH * NCH
E_PAD = EPT * NC * NS
MROWS = 10112
RPT = MROWS // NS

BR = 1000


NBUF = 2
NGRP = NCH // NBUF


def _sc_scatter_body(h, srcp, dstp, zrows, out, msg, sidx, didx, rows, *sems):
    gsems = sems[:NBUF]
    isem = sems[NBUF]
    cid = lax.axis_index("c")
    sid = lax.axis_index("s")
    wid = cid * NS + sid
    pltpu.async_copy(srcp.at[wid], sidx, isem)
    pltpu.async_copy(dstp.at[wid], didx, isem)
    pltpu.sync_copy(zrows, msg.at[pl.ds(sid * RPT, RPT)])
    pltpu.make_async_copy(srcp.at[wid], sidx, isem).wait()
    pltpu.make_async_copy(dstp.at[wid], didx, isem).wait()

    def g_start(k, b):
        pltpu.async_copy(h.at[sidx.at[k]], rows.at[b], gsems[b])

    def g_wait(b):
        pltpu.make_async_copy(h.at[sidx.at[0]], rows.at[b], gsems[b]).wait()

    for b in range(NBUF):
        g_start(b, b)
    plsc.subcore_barrier()

    def grp(g, carry):
        for b in range(NBUF):
            k = g * NBUF + b
            g_wait(b)
            pltpu.sync_copy(rows.at[b], msg.at[didx.at[k]], add=True)

            @pl.when(g + 1 < NGRP)
            def _():
                g_start(k + NBUF, b)
        return carry

    lax.fori_loop(0, NGRP, grp, 0)
    plsc.subcore_barrier()
    row0 = cid * MROWS + sid * RPT
    pltpu.sync_copy(msg.at[pl.ds(sid * RPT, RPT)], out.at[pl.ds(row0, RPT)])


_sc_scatter = pl.kernel(
    _sc_scatter_body,
    out_type=jax.ShapeDtypeStruct((NC * MROWS, D), jnp.float32),
    mesh=plsc.VectorSubcoreMesh(core_axis_name="c", subcore_axis_name="s"),
    scratch_types=[
        pltpu.VMEM_SHARED((MROWS, D), jnp.float32),
        pltpu.VMEM((NCH, CH), jnp.int32),
        pltpu.VMEM((NCH, CH), jnp.int32),
        pltpu.VMEM((NBUF, CH, D), jnp.float32),
    ] + [pltpu.SemaphoreType.DMA] * (NBUF + 1),
)


def _combine_body(h_ref, p_ref, c_ref, o_ref):
    msg = p_ref[0] + p_ref[1]
    o_ref[...] = (h_ref[...] + msg / c_ref[...]) * 0.5


def _tc_combine(h, p3, cmat):
    return pl.pallas_call(
        _combine_body,
        grid=(N // BR,),
        in_specs=[
            pl.BlockSpec((BR, D), lambda i: (i, 0)),
            pl.BlockSpec((NC, BR, D), lambda i: (0, i, 0)),
            pl.BlockSpec((BR, D), lambda i: (i, 0)),
        ],
        out_specs=pl.BlockSpec((BR, D), lambda i: (i, 0)),
        out_shape=jax.ShapeDtypeStruct((N, D), jnp.float32),
    )(h, p3, cmat)


def _dinv_body(p_ref, o_ref):
    deg = p_ref[0] + p_ref[1]
    o_ref[...] = jnp.maximum(deg, 1.0)


def _tc_dinv(p3):
    return pl.pallas_call(
        _dinv_body,
        grid=(N // BR,),
        in_specs=[pl.BlockSpec((NC, BR, D), lambda i: (0, i, 0))],
        out_specs=pl.BlockSpec((BR, D), lambda i: (i, 0)),
        out_shape=jax.ShapeDtypeStruct((N, D), jnp.float32),
    )(p3)


def _input_body(x_ref, w_ref, b_ref, o_ref):
    o_ref[...] = jnp.maximum(x_ref[...] @ w_ref[...].T + b_ref[...], 0.0)


def _tc_input(x, W_in, b_in):
    return pl.pallas_call(
        _input_body,
        grid=(N // BR,),
        in_specs=[
            pl.BlockSpec((BR, D), lambda i: (i, 0)),
            pl.BlockSpec((D, D), lambda i: (0, 0)),
            pl.BlockSpec((1, D), lambda i: (0, 0)),
        ],
        out_specs=pl.BlockSpec((BR, D), lambda i: (i, 0)),
        out_shape=jax.ShapeDtypeStruct((N, D), jnp.float32),
    )(x, W_in, b_in.reshape(1, D))


def _readout_body(h_ref, b_ref, wih_ref, whh_ref, bih_ref, bhh_ref, wp_ref,
                  o_ref):
    h = h_ref[...]
    bat = b_ref[...]
    gid = lax.broadcasted_iota(jnp.int32, (G, N), 0)
    oh = jnp.where(gid == bat, 1.0, 0.0)

    q = jnp.zeros((G, 2 * D), jnp.float32)
    hl = jnp.zeros((G, D), jnp.float32)
    cl = jnp.zeros((G, D), jnp.float32)
    dn = (((1,), (1,)), ((), ()))
    for _ in range(S2S_STEPS):
        gates = (q @ wih_ref[...].T + hl @ whh_ref[...].T
                 + bih_ref[...] + bhh_ref[...])
        ii = jax.nn.sigmoid(gates[:, 0 * D:1 * D])
        ff = jax.nn.sigmoid(gates[:, 1 * D:2 * D])
        gg = jnp.tanh(gates[:, 2 * D:3 * D])
        oo = jax.nn.sigmoid(gates[:, 3 * D:4 * D])
        cl = ff * cl + ii * gg
        hl = oo * jnp.tanh(cl)
        e_gn = lax.dot_general(hl, h, dn)
        masked = jnp.where(oh > 0, e_gn, -jnp.inf)
        emax = jnp.max(masked, axis=1, keepdims=True)
        emax = jnp.where(jnp.isfinite(emax), emax, 0.0)
        ee = oh * jnp.exp(jnp.where(oh > 0, e_gn - emax, 0.0))
        denom = jnp.sum(ee, axis=1, keepdims=True)
        a_gn = ee / jnp.maximum(denom, 1e-16)
        r = a_gn @ h
        q = jnp.concatenate([hl, r], axis=1)

    o_ref[...] = q @ wp_ref[...].T


def _tc_readout(h, batch, lstm_Wih, lstm_Whh, lstm_bih, lstm_bhh, W_pred):
    wp_pad = jnp.zeros((D, 2 * D), jnp.float32).at[0].set(W_pred[0])
    return pl.pallas_call(
        _readout_body,
        out_shape=jax.ShapeDtypeStruct((G, D), jnp.float32),
    )(h, batch.reshape(1, N).astype(jnp.int32), lstm_Wih, lstm_Whh,
      lstm_bih.reshape(1, 4 * D), lstm_bhh.reshape(1, 4 * D), wp_pad)


def kernel(x, edge_index, batch, W_in, b_in, lstm_Wih, lstm_Whh, lstm_bih,
           lstm_bhh, W_pred, b_pred):
    src = edge_index[0].astype(jnp.int32)
    dst = edge_index[1].astype(jnp.int32)
    pad = E_PAD - E
    srcp = jnp.concatenate([src, jnp.zeros((pad,), jnp.int32)])
    srcp = srcp.reshape(NC * NS, NCH, CH)
    dstp = jnp.concatenate([dst, jnp.full((pad,), N, jnp.int32)])
    dstp = dstp.reshape(NC * NS, NCH, CH)
    zrows = jnp.zeros((RPT, D), jnp.float32)

    ones = jnp.ones((N, D), jnp.float32)
    pdeg = _sc_scatter(ones, srcp, dstp, zrows).reshape(NC, MROWS, D)
    cmat = _tc_dinv(pdeg)

    h = _tc_input(x, W_in, b_in)

    def step(hh, _):
        p3 = _sc_scatter(hh, srcp, dstp, zrows).reshape(NC, MROWS, D)
        return _tc_combine(hh, p3, cmat), None

    h, _ = lax.scan(step, h, None, length=MPNN_STEPS)

    out = _tc_readout(h, batch, lstm_Wih, lstm_Whh, lstm_bih, lstm_bhh,
                      W_pred)
    return out[:, :1] + b_pred

# --- scband reference (transcript-rebuilt; emitter-appended) ---
"""Pipeline reference for scband-model-22368189677787 (READ-ONLY COPY).

The authoritative reference and input builder live on the scoring server;
editing this copy changes nothing except your own understanding.
"""

import jax, jax.numpy as jnp
import numpy as np

N = 10000
E = 160000
D = 128            # hidden_encoding_length == node_encoding_length
G = 64             # number of graphs in the batch
MPNN_STEPS = 128   # NOTE: Model passes MPNN(mpnn_steps, hidden, aggr, update) but MPNN.__init__ is
                   # (hidden_size, mpnn_steps, ...), so the actual number of propagation steps is
                   # hidden_encoding_length (=128), faithfully reproduced here.
S2S_STEPS = 3


def setup_inputs(seed: int = 0) -> dict:
    key = jax.random.key(seed)
    ks = jax.random.split(key, 12)
    x = jax.random.normal(ks[0], (N, D), dtype=jnp.float32)
    edge_index = jax.random.randint(ks[1], (2, E), 0, N, dtype=jnp.int32)
    batch = jnp.sort(jax.random.randint(ks[2], (N,), 0, G, dtype=jnp.int32))
    s = 0.05
    W_in = jax.random.normal(ks[3], (D, D), dtype=jnp.float32) * s
    b_in = jax.random.normal(ks[4], (D,), dtype=jnp.float32) * s
    lstm_Wih = jax.random.normal(ks[5], (4 * D, 2 * D), dtype=jnp.float32) * s
    lstm_Whh = jax.random.normal(ks[6], (4 * D, D), dtype=jnp.float32) * s
    lstm_bih = jax.random.normal(ks[7], (4 * D,), dtype=jnp.float32) * s
    lstm_bhh = jax.random.normal(ks[8], (4 * D,), dtype=jnp.float32) * s
    W_pred = jax.random.normal(ks[9], (1, 2 * D), dtype=jnp.float32) * s
    b_pred = jax.random.normal(ks[10], (1,), dtype=jnp.float32) * s
    return {"x": x, "edge_index": edge_index, "batch": batch,
            "W_in": W_in, "b_in": b_in,
            "lstm_Wih": lstm_Wih, "lstm_Whh": lstm_Whh,
            "lstm_bih": lstm_bih, "lstm_bhh": lstm_bhh,
            "W_pred": W_pred, "b_pred": b_pred}


def _forward(x, edge_index, batch, W_in, b_in, lstm_Wih, lstm_Whh, lstm_bih, lstm_bhh, W_pred, b_pred):
    src = edge_index[0]
    dst = edge_index[1]
    # input layer + relu
    h = jax.nn.relu(x @ W_in.T + b_in)
    # precompute in-degree for PyG 'mean' aggregation (count clamped to >= 1)
    deg = jax.ops.segment_sum(jnp.ones((E,), jnp.float32), dst, num_segments=N)
    deg = jnp.clip(deg, 1.0, None)[:, None]

    def mp_step(hh, _):
        msg = jax.ops.segment_sum(hh[src], dst, num_segments=N)  # gather + scatter-add
        m = msg / deg                                            # mean aggregation
        return (hh + m) * 0.5, None                              # update_mean

    h, _ = jax.lax.scan(mp_step, h, None, length=MPNN_STEPS)

    # Set2Set readout
    q_star = jnp.zeros((G, 2 * D), jnp.float32)
    hl = jnp.zeros((G, D), jnp.float32)
    cl = jnp.zeros((G, D), jnp.float32)
    for _ in range(S2S_STEPS):
        gates = q_star @ lstm_Wih.T + hl @ lstm_Whh.T + lstm_bih + lstm_bhh
        i, f, g, o = jnp.split(gates, 4, axis=-1)
        i = jax.nn.sigmoid(i); f = jax.nn.sigmoid(f)
        g = jnp.tanh(g); o = jax.nn.sigmoid(o)
        cl = f * cl + i * g
        hl = o * jnp.tanh(cl)
        e = jnp.sum(h * hl[batch], axis=-1)
        emax = jax.ops.segment_max(e, batch, num_segments=G)
        emax = jnp.where(jnp.isfinite(emax), emax, 0.0)
        ee = jnp.exp(e - emax[batch])
        denom = jax.ops.segment_sum(ee, batch, num_segments=G)
        a = ee / jnp.maximum(denom, 1e-16)[batch]
        r = jax.ops.segment_sum(a[:, None] * h, batch, num_segments=G)
        q_star = jnp.concatenate([hl, r], axis=-1)

    return q_star @ W_pred.T + b_pred


def reference(x, edge_index, batch, W_in, b_in, lstm_Wih, lstm_Whh, lstm_bih, lstm_bhh, W_pred, b_pred):
    return _forward(x, edge_index, batch, W_in, b_in, lstm_Wih, lstm_Whh, lstm_bih, lstm_bhh, W_pred, b_pred)

if __name__ == "__main__":
    import jax
    _d = setup_inputs()
    print(jax.jit(kernel)(*tuple(_d.values())))

</pallas_src>

<mosaic_0001>
#map = affine_map<(d0, d1) -> (0, 0)>
#map1 = affine_map<(d0, d1) -> (0, 0, 0)>
module attributes {stable_mosaic.version = 14 : i64} {
  func.func @_sc_scatter_body(%arg0: i32, %arg1: i32, %arg2: memref<10000x128xf32, #tpu.memory_space<hbm>>, %arg3: memref<32x40x128xi32, #tpu.memory_space<hbm>>, %arg4: memref<32x40x128xi32, #tpu.memory_space<hbm>>, %arg5: memref<632x128xf32, #tpu.memory_space<hbm>>, %arg6: memref<20224x128xf32, #tpu.memory_space<hbm>>, %arg7: memref<10112x128xf32, #tpu.memory_space<vmem_shared>>, %arg8: memref<40x128xi32, #tpu.memory_space<vmem>>, %arg9: memref<40x128xi32, #tpu.memory_space<vmem>>, %arg10: memref<2x128x128xf32, #tpu.memory_space<vmem>>, %arg11: memref<!tpu.dma_semaphore, #tpu.memory_space<semaphore_mem>>, %arg12: memref<!tpu.dma_semaphore, #tpu.memory_space<semaphore_mem>>, %arg13: memref<!tpu.dma_semaphore, #tpu.memory_space<semaphore_mem>>) attributes {dimension_semantics = [#tpu.dimension_semantics<core_parallel>, #tpu.dimension_semantics<subcore_parallel>], iteration_bounds = array<i64: 2, 16>, scalar_prefetch = 0 : i64, scratch_operands = 7 : i64, tpu.core_type = #tpu.core_type<sc_vector_subcore>, window_params = [{transform_indices = #map}, {transform_indices = #map1}, {transform_indices = #map1}, {transform_indices = #map}, {transform_indices = #map}]} {
    %mul3A = arith.constant 16 : i32
    %mul3A_0 = arith.muli %arg0, %mul3A : i32
    %add3A = arith.addi %mul3A_0, %arg1 : i32
    %dma_start3A = arith.constant 0 : i32
    %dma_start3A_1 = arith.constant 0 : i32
    %dma_start3A_2 = tpu.memref_slice %arg3[%add3A, %dma_start3A, %dma_start3A_1] : memref<32x40x128xi32, #tpu.memory_space<hbm>> -> memref<1x40x128xi32, #tpu.memory_space<hbm>>
    %dma_start3A_3 = tpu.memref_squeeze %dma_start3A_2 : memref<1x40x128xi32, #tpu.memory_space<hbm>> -> memref<40x128xi32, #tpu.memory_space<hbm>>
    %dma_start3A_4 = arith.constant 0 : i32
    %dma_start3A_5 = arith.constant 0 : i32
    %dma_start3A_6 = tpu.memref_slice %arg3[%add3A, %dma_start3A_4, %dma_start3A_5] : memref<32x40x128xi32, #tpu.memory_space<hbm>> -> memref<1x40x128xi32, #tpu.memory_space<hbm>>
    %dma_start3A_7 = tpu.memref_squeeze %dma_start3A_6 : memref<1x40x128xi32, #tpu.memory_space<hbm>> -> memref<40x128xi32, #tpu.memory_space<hbm>>
    tpu.enqueue_dma source(%dma_start3A_7 : memref<40x128xi32, #tpu.memory_space<hbm>>) target(%arg8 : memref<40x128xi32, #tpu.memory_space<vmem>>) target_semaphore(%arg13 : memref<!tpu.dma_semaphore, #tpu.memory_space<semaphore_mem>>)
    %dma_start3A_8 = arith.constant 0 : i32
    %dma_start3A_9 = arith.constant 0 : i32
    %dma_start3A_10 = tpu.memref_slice %arg4[%add3A, %dma_start3A_8, %dma_start3A_9] : memref<32x40x128xi32, #tpu.memory_space<hbm>> -> memref<1x40x128xi32, #tpu.memory_space<hbm>>
    %dma_start3A_11 = tpu.memref_squeeze %dma_start3A_10 : memref<1x40x128xi32, #tpu.memory_space<hbm>> -> memref<40x128xi32, #tpu.memory_space<hbm>>
    %dma_start3A_12 = arith.constant 0 : i32
    %dma_start3A_13 = arith.constant 0 : i32
    %dma_start3A_14 = tpu.memref_slice %arg4[%add3A, %dma_start3A_12, %dma_start3A_13] : memref<32x40x128xi32, #tpu.memory_space<hbm>> -> memref<1x40x128xi32, #tpu.memory_space<hbm>>
    %dma_start3A_15 = tpu.memref_squeeze %dma_start3A_14 : memref<1x40x128xi32, #tpu.memory_space<hbm>> -> memref<40x128xi32, #tpu.memory_space<hbm>>
    tpu.enqueue_dma source(%dma_start3A_15 : memref<40x128xi32, #tpu.memory_space<hbm>>) target(%arg9 : memref<40x128xi32, #tpu.memory_space<vmem>>) target_semaphore(%arg13 : memref<!tpu.dma_semaphore, #tpu.memory_space<semaphore_mem>>)
    %mul3A_16 = arith.constant 632 : i32
    %mul3A_17 = arith.muli %arg1, %mul3A_16 : i32
    "tpu.region"() ({
      %run_scoped3A = tpu.sem_alloc : memref<!tpu.dma_semaphore, #tpu.memory_space<semaphore_mem>>
      %dma_start3A_70 = arith.constant 0 : i32
      %dma_start3A_71 = tpu.memref_slice %arg7[%mul3A_17, %dma_start3A_70] : memref<10112x128xf32, #tpu.memory_space<vmem_shared>> -> memref<632x128xf32, #tpu.memory_space<vmem_shared>>
      tpu.enqueue_dma source(%arg5 : memref<632x128xf32, #tpu.memory_space<hbm>>) target(%dma_start3A_71 : memref<632x128xf32, #tpu.memory_space<vmem_shared>>) target_semaphore(%run_scoped3A : memref<!tpu.dma_semaphore, #tpu.memory_space<semaphore_mem>>)
      %dma_wait3A_72 = arith.constant 0 : i32
      %dma_wait3A_73 = tpu.memref_slice %arg7[%mul3A_17, %dma_wait3A_72] : memref<10112x128xf32, #tpu.memory_space<vmem_shared>> -> memref<632x128xf32, #tpu.memory_space<vmem_shared>>
      tpu.wait_dma2 semaphore(%run_scoped3A : memref<!tpu.dma_semaphore, #tpu.memory_space<semaphore_mem>>) src(%arg5 : memref<632x128xf32, #tpu.memory_space<hbm>>) dst(%dma_wait3A_73 : memref<632x128xf32, #tpu.memory_space<vmem_shared>>)
      tpu.yield
    }) : () -> ()
    %dma_wait3A = arith.constant 0 : i32
    %dma_wait3A_18 = arith.constant 0 : i32
    %dma_wait3A_19 = tpu.memref_slice %arg3[%add3A, %dma_wait3A, %dma_wait3A_18] : memref<32x40x128xi32, #tpu.memory_space<hbm>> -> memref<1x40x128xi32, #tpu.memory_space<hbm>>
    %dma_wait3A_20 = tpu.memref_squeeze %dma_wait3A_19 : memref<1x40x128xi32, #tpu.memory_space<hbm>> -> memref<40x128xi32, #tpu.memory_space<hbm>>
    %dma_wait3A_21 = arith.constant 0 : i32
    %dma_wait3A_22 = arith.constant 0 : i32
    %dma_wait3A_23 = tpu.memref_slice %arg3[%add3A, %dma_wait3A_21, %dma_wait3A_22] : memref<32x40x128xi32, #tpu.memory_space<hbm>> -> memref<1x40x128xi32, #tpu.memory_space<hbm>>
    %dma_wait3A_24 = tpu.memref_squeeze %dma_wait3A_23 : memref<1x40x128xi32, #tpu.memory_space<hbm>> -> memref<40x128xi32, #tpu.memory_space<hbm>>
    tpu.wait_dma2 semaphore(%arg13 : memref<!tpu.dma_semaphore, #tpu.memory_space<semaphore_mem>>) src(%dma_wait3A_24 : memref<40x128xi32, #tpu.memory_space<hbm>>) dst(%arg8 : memref<40x128xi32, #tpu.memory_space<vmem>>)
    %dma_wait3A_25 = arith.constant 0 : i32
    %dma_wait3A_26 = arith.constant 0 : i32
    %dma_wait3A_27 = tpu.memref_slice %arg4[%add3A, %dma_wait3A_25, %dma_wait3A_26] : memref<32x40x128xi32, #tpu.memory_space<hbm>> -> memref<1x40x128xi32, #tpu.memory_space<hbm>>
    %dma_wait3A_28 = tpu.memref_squeeze %dma_wait3A_27 : memref<1x40x128xi32, #tpu.memory_space<hbm>> -> memref<40x128xi32, #tpu.memory_space<hbm>>
    %dma_wait3A_29 = arith.constant 0 : i32
    %dma_wait3A_30 = arith.constant 0 : i32
    %dma_wait3A_31 = tpu.memref_slice %arg4[%add3A, %dma_wait3A_29, %dma_wait3A_30] : memref<32x40x128xi32, #tpu.memory_space<hbm>> -> memref<1x40x128xi32, #tpu.memory_space<hbm>>
    %dma_wait3A_32 = tpu.memref_squeeze %dma_wait3A_31 : memref<1x40x128xi32, #tpu.memory_space<hbm>> -> memref<40x128xi32, #tpu.memory_space<hbm>>
    tpu.wait_dma2 semaphore(%arg13 : memref<!tpu.dma_semaphore, #tpu.memory_space<semaphore_mem>>) src(%dma_wait3A_32 : memref<40x128xi32, #tpu.memory_space<hbm>>) dst(%arg9 : memref<40x128xi32, #tpu.memory_space<vmem>>)
    %dma_start3A_33 = arith.constant 0 : i32
    %dma_start3A_34 = arith.constant 0 : i32
    %dma_start3A_35 = arith.constant 0 : i32
    %dma_start3A_36 = arith.constant 0 : i32
    %dma_start3A_37 = tpu.memref_slice %arg10[%dma_start3A_34, %dma_start3A_35, %dma_start3A_36] : memref<2x128x128xf32, #tpu.memory_space<vmem>> -> memref<1x128x128xf32, #tpu.memory_space<vmem>>
    %dma_start3A_38 = tpu.memref_squeeze %dma_start3A_37 : memref<1x128x128xf32, #tpu.memory_space<vmem>> -> memref<128x128xf32, #tpu.memory_space<vmem>>
    %dma_start3A_39 = arith.constant 0 : i32
    %dma_start3A_40 = tpu.memref_slice %arg8[%dma_start3A_33, %dma_start3A_39] : memref<40x128xi32, #tpu.memory_space<vmem>> -> memref<1x128xi32, #tpu.memory_space<vmem>>
    %dma_start3A_41 = tpu.memref_squeeze %dma_start3A_40 : memref<1x128xi32, #tpu.memory_space<vmem>> -> memref<128xi32, #tpu.memory_space<vmem>>
    %dma_start3A_42 = arith.constant 0 : i32
    %dma_start3A_43 = arith.constant 0 : i32
    %dma_start3A_44 = tpu.memref_slice %arg2[%dma_start3A_42, %dma_start3A_43] : memref<10000x128xf32, #tpu.memory_space<hbm>> -> memref<10000x128xf32, #tpu.memory_space<hbm>>
    tpu.enqueue_indirect_dma source(%dma_start3A_44 : memref<10000x128xf32, #tpu.memory_space<hbm>>) target(%dma_start3A_38 : memref<128x128xf32, #tpu.memory_space<vmem>>) offsets(%dma_start3A_41 : memref<128xi32, #tpu.memory_space<vmem>>) semaphore(%arg11 : memref<!tpu.dma_semaphore, #tpu.memory_space<semaphore_mem>>)
    %dma_start3A_45 = arith.constant 1 : i32
    %dma_start3A_46 = arith.constant 1 : i32
    %dma_start3A_47 = arith.constant 0 : i32
    %dma_start3A_48 = arith.constant 0 : i32
    %dma_start3A_49 = tpu.memref_slice %arg10[%dma_start3A_46, %dma_start3A_47, %dma_start3A_48] : memref<2x128x128xf32, #tpu.memory_space<vmem>> -> memref<1x128x128xf32, #tpu.memory_space<vmem>>
    %dma_start3A_50 = tpu.memref_squeeze %dma_start3A_49 : memref<1x128x128xf32, #tpu.memory_space<vmem>> -> memref<128x128xf32, #tpu.memory_space<vmem>>
    %dma_start3A_51 = arith.constant 0 : i32
    %dma_start3A_52 = tpu.memref_slice %arg8[%dma_start3A_45, %dma_start3A_51] : memref<40x128xi32, #tpu.memory_space<vmem>> -> memref<1x128xi32, #tpu.memory_space<vmem>>
    %dma_start3A_53 = tpu.memref_squeeze %dma_start3A_52 : memref<1x128xi32, #tpu.memory_space<vmem>> -> memref<128xi32, #tpu.memory_space<vmem>>
    %dma_start3A_54 = arith.constant 0 : i32
    %dma_start3A_55 = arith.constant 0 : i32
    %dma_start3A_56 = tpu.memref_slice %arg2[%dma_start3A_54, %dma_start3A_55] : memref<10000x128xf32, #tpu.memory_space<hbm>> -> memref<10000x128xf32, #tpu.memory_space<hbm>>
    tpu.enqueue_indirect_dma source(%dma_start3A_56 : memref<10000x128xf32, #tpu.memory_space<hbm>>) target(%dma_start3A_50 : memref<128x128xf32, #tpu.memory_space<vmem>>) offsets(%dma_start3A_53 : memref<128xi32, #tpu.memory_space<vmem>>) semaphore(%arg12 : memref<!tpu.dma_semaphore, #tpu.memory_space<semaphore_mem>>)
    %barrier3A = arith.constant 0 : index
    tpu.barrier barrier_id(%barrier3A)
    %scan3A = arith.constant 0 : i32
    %scan3A_57 = arith.constant 0 : i32
    %scan3A_58 = arith.constant 20 : i32
    %scan3A_59 = arith.addi %scan3A_57, %scan3A_58 : i32
    %scan3A_60 = arith.constant 1 : i32
    scf.for %scan3A_70 = %scan3A_57 to %scan3A_59 step %scan3A_60  : i32 {
      %mul3A_71 = arith.constant 2 : i32
      %mul3A_72 = arith.muli %scan3A_70, %mul3A_71 : i32
      %add3A_73 = arith.constant 0 : i32
      %add3A_74 = arith.addi %mul3A_72, %add3A_73 : i32
      %dma_wait3A_75 = arith.constant 0 : i32
      %dma_wait3A_76 = arith.constant 0 : i32
      %dma_wait3A_77 = arith.constant 0 : i32
      %dma_wait3A_78 = arith.constant 0 : i32
      %dma_wait3A_79 = tpu.memref_slice %arg10[%dma_wait3A_76, %dma_wait3A_77, %dma_wait3A_78] : memref<2x128x128xf32, #tpu.memory_space<vmem>> -> memref<1x128x128xf32, #tpu.memory_space<vmem>>
      %dma_wait3A_80 = tpu.memref_squeeze %dma_wait3A_79 : memref<1x128x128xf32, #tpu.memory_space<vmem>> -> memref<128x128xf32, #tpu.memory_space<vmem>>
      %dma_wait3A_81 = arith.constant 0 : i32
      %dma_wait3A_82 = tpu.memref_slice %arg8[%dma_wait3A_75, %dma_wait3A_81] : memref<40x128xi32, #tpu.memory_space<vmem>> -> memref<1x128xi32, #tpu.memory_space<vmem>>
      %dma_wait3A_83 = tpu.memref_squeeze %dma_wait3A_82 : memref<1x128xi32, #tpu.memory_space<vmem>> -> memref<128xi32, #tpu.memory_space<vmem>>
      %dma_wait3A_84 = arith.constant 0 : i32
      %dma_wait3A_85 = arith.constant 0 : i32
      %dma_wait3A_86 = tpu.memref_slice %arg2[%dma_wait3A_84, %dma_wait3A_85] : memref<10000x128xf32, #tpu.memory_space<hbm>> -> memref<10000x128xf32, #tpu.memory_space<hbm>>
      tpu.wait_indirect_dma semaphore(%arg11 : memref<!tpu.dma_semaphore, #tpu.memory_space<semaphore_mem>>) src(%dma_wait3A_86 : memref<10000x128xf32, #tpu.memory_space<hbm>>) dst(%dma_wait3A_80 : memref<128x128xf32, #tpu.memory_space<vmem>>)
      %run_scoped3A = arith.constant 0 : i32
      "tpu.region"() ({
        %run_scoped3A_115 = tpu.sem_alloc : memref<!tpu.dma_semaphore, #tpu.memory_space<semaphore_mem>>
        %dma_start3A_116 = arith.constant 0 : i32
        %dma_start3A_117 = arith.constant 0 : i32
        %dma_start3A_118 = tpu.memref_slice %arg10[%run_scoped3A, %dma_start3A_116, %dma_start3A_117] : memref<2x128x128xf32, #tpu.memory_space<vmem>> -> memref<1x128x128xf32, #tpu.memory_space<vmem>>
        %dma_start3A_119 = tpu.memref_squeeze %dma_start3A_118 : memref<1x128x128xf32, #tpu.memory_space<vmem>> -> memref<128x128xf32, #tpu.memory_space<vmem>>
        %dma_start3A_120 = arith.constant 0 : i32
        %dma_start3A_121 = tpu.memref_slice %arg9[%add3A_74, %dma_start3A_120] : memref<40x128xi32, #tpu.memory_space<vmem>> -> memref<1x128xi32, #tpu.memory_space<vmem>>
        %dma_start3A_122 = tpu.memref_squeeze %dma_start3A_121 : memref<1x128xi32, #tpu.memory_space<vmem>> -> memref<128xi32, #tpu.memory_space<vmem>>
        %dma_start3A_123 = arith.constant 0 : i32
        %dma_start3A_124 = arith.constant 0 : i32
        %dma_start3A_125 = tpu.memref_slice %arg7[%dma_start3A_123, %dma_start3A_124] : memref<10112x128xf32, #tpu.memory_space<vmem_shared>> -> memref<10112x128xf32, #tpu.memory_space<vmem_shared>>
        tpu.enqueue_indirect_dma source(%dma_start3A_119 : memref<128x128xf32, #tpu.memory_space<vmem>>) target(%dma_start3A_125 : memref<10112x128xf32, #tpu.memory_space<vmem_shared>>) offsets(%dma_start3A_122 : memref<128xi32, #tpu.memory_space<vmem>>) semaphore(%run_scoped3A_115 : memref<!tpu.dma_semaphore, #tpu.memory_space<semaphore_mem>>) {add = true}
        %dma_wait3A_126 = arith.constant 0 : i32
        %dma_wait3A_127 = arith.constant 0 : i32
        %dma_wait3A_128 = tpu.memref_slice %arg10[%run_scoped3A, %dma_wait3A_126, %dma_wait3A_127] : memref<2x128x128xf32, #tpu.memory_space<vmem>> -> memref<1x128x128xf32, #tpu.memory_space<vmem>>
        %dma_wait3A_129 = tpu.memref_squeeze %dma_wait3A_128 : memref<1x128x128xf32, #tpu.memory_space<vmem>> -> memref<128x128xf32, #tpu.memory_space<vmem>>
        %dma_wait3A_130 = arith.constant 0 : i32
        %dma_wait3A_131 = tpu.memref_slice %arg9[%add3A_74, %dma_wait3A_130] : memref<40x128xi32, #tpu.memory_space<vmem>> -> memref<1x128xi32, #tpu.memory_space<vmem>>
        %dma_wait3A_132 = tpu.memref_squeeze %dma_wait3A_131 : memref<1x128xi32, #tpu.memory_space<vmem>> -> memref<128xi32, #tpu.memory_space<vmem>>
        %dma_wait3A_133 = arith.constant 0 : i32
        %dma_wait3A_134 = arith.constant 0 : i32
        %dma_wait3A_135 = tpu.memref_slice %arg7[%dma_wait3A_133, %dma_wait3A_134] : memref<10112x128xf32, #tpu.memory_space<vmem_shared>> -> memref<10112x128xf32, #tpu.memory_space<vmem_shared>>
        tpu.wait_indirect_dma semaphore(%run_scoped3A_115 : memref<!tpu.dma_semaphore, #tpu.memory_space<semaphore_mem>>) src(%dma_wait3A_129 : memref<128x128xf32, #tpu.memory_space<vmem>>) dst(%dma_wait3A_135 : memref<10112x128xf32, #tpu.memory_space<vmem_shared>>)
        tpu.yield
      }) : () -> ()
      %add3A_87 = arith.constant 1 : i32
      %add3A_88 = arith.addi %scan3A_70, %add3A_87 : i32
      %lt3A = arith.constant 20 : i32
      %lt3A_89 = arith.cmpi slt, %add3A_88, %lt3A : i32
      %convert_element_type3A = arith.extui %lt3A_89 : i1 to i32
      %cond3A = arith.constant 0 : i32
      %cond3A_90 = arith.cmpi ne, %convert_element_type3A, %cond3A : i32
      scf.if %cond3A_90 {
        %add3A_115 = arith.constant 2 : i32
        %add3A_116 = arith.addi %add3A_74, %add3A_115 : i32
        %dma_start3A_117 = arith.constant 0 : i32
        %dma_start3A_118 = arith.constant 0 : i32
        %dma_start3A_119 = arith.constant 0 : i32
        %dma_start3A_120 = tpu.memref_slice %arg10[%dma_start3A_117, %dma_start3A_118, %dma_start3A_119] : memref<2x128x128xf32, #tpu.memory_space<vmem>> -> memref<1x128x128xf32, #tpu.memory_space<vmem>>
        %dma_start3A_121 = tpu.memref_squeeze %dma_start3A_120 : memref<1x128x128xf32, #tpu.memory_space<vmem>> -> memref<128x128xf32, #tpu.memory_space<vmem>>
        %dma_start3A_122 = arith.constant 0 : i32
        %dma_start3A_123 = tpu.memref_slice %arg8[%add3A_116, %dma_start3A_122] : memref<40x128xi32, #tpu.memory_space<vmem>> -> memref<1x128xi32, #tpu.memory_space<vmem>>
        %dma_start3A_124 = tpu.memref_squeeze %dma_start3A_123 : memref<1x128xi32, #tpu.memory_space<vmem>> -> memref<128xi32, #tpu.memory_space<vmem>>
        %dma_start3A_125 = arith.constant 0 : i32
        %dma_start3A_126 = arith.constant 0 : i32
        %dma_start3A_127 = tpu.memref_slice %arg2[%dma_start3A_125, %dma_start3A_126] : memref<10000x128xf32, #tpu.memory_space<hbm>> -> memref<10000x128xf32, #tpu.memory_space<hbm>>
        tpu.enqueue_indirect_dma source(%dma_start3A_127 : memref<10000x128xf32, #tpu.memory_space<hbm>>) target(%dma_start3A_121 : memref<128x128xf32, #tpu.memory_space<vmem>>) offsets(%dma_start3A_124 : memref<128xi32, #tpu.memory_space<vmem>>) semaphore(%arg11 : memref<!tpu.dma_semaphore, #tpu.memory_space<semaphore_mem>>)
      } else {
      }
      %mul3A_91 = arith.constant 2 : i32
      %mul3A_92 = arith.muli %scan3A_70, %mul3A_91 : i32
      %add3A_93 = arith.constant 1 : i32
      %add3A_94 = arith.addi %mul3A_92, %add3A_93 : i32
      %dma_wait3A_95 = arith.constant 0 : i32
      %dma_wait3A_96 = arith.constant 1 : i32
      %dma_wait3A_97 = arith.constant 0 : i32
      %dma_wait3A_98 = arith.constant 0 : i32
      %dma_wait3A_99 = tpu.memref_slice %arg10[%dma_wait3A_96, %dma_wait3A_97, %dma_wait3A_98] : memref<2x128x128xf32, #tpu.memory_space<vmem>> -> memref<1x128x128xf32, #tpu.memory_space<vmem>>
      %dma_wait3A_100 = tpu.memref_squeeze %dma_wait3A_99 : memref<1x128x128xf32, #tpu.memory_space<vmem>> -> memref<128x128xf32, #tpu.memory_space<vmem>>
      %dma_wait3A_101 = arith.constant 0 : i32
      %dma_wait3A_102 = tpu.memref_slice %arg8[%dma_wait3A_95, %dma_wait3A_101] : memref<40x128xi32, #tpu.memory_space<vmem>> -> memref<1x128xi32, #tpu.memory_space<vmem>>
      %dma_wait3A_103 = tpu.memref_squeeze %dma_wait3A_102 : memref<1x128xi32, #tpu.memory_space<vmem>> -> memref<128xi32, #tpu.memory_space<vmem>>
      %dma_wait3A_104 = arith.constant 0 : i32
      %dma_wait3A_105 = arith.constant 0 : i32
      %dma_wait3A_106 = tpu.memref_slice %arg2[%dma_wait3A_104, %dma_wait3A_105] : memref<10000x128xf32, #tpu.memory_space<hbm>> -> memref<10000x128xf32, #tpu.memory_space<hbm>>
      tpu.wait_indirect_dma semaphore(%arg12 : memref<!tpu.dma_semaphore, #tpu.memory_space<semaphore_mem>>) src(%dma_wait3A_106 : memref<10000x128xf32, #tpu.memory_space<hbm>>) dst(%dma_wait3A_100 : memref<128x128xf32, #tpu.memory_space<vmem>>)
      %run_scoped3A_107 = arith.constant 1 : i32
      "tpu.region"() ({
        %run_scoped3A_115 = tpu.sem_alloc : memref<!tpu.dma_semaphore, #tpu.memory_space<semaphore_mem>>
        %dma_start3A_116 = arith.constant 0 : i32
        %dma_start3A_117 = arith.constant 0 : i32
        %dma_start3A_118 = tpu.memref_slice %arg10[%run_scoped3A_107, %dma_start3A_116, %dma_start3A_117] : memref<2x128x128xf32, #tpu.memory_space<vmem>> -> memref<1x128x128xf32, #tpu.memory_space<vmem>>
        %dma_start3A_119 = tpu.memref_squeeze %dma_start3A_118 : memref<1x128x128xf32, #tpu.memory_space<vmem>> -> memref<128x128xf32, #tpu.memory_space<vmem>>
        %dma_start3A_120 = arith.constant 0 : i32
        %dma_start3A_121 = tpu.memref_slice %arg9[%add3A_94, %dma_start3A_120] : memref<40x128xi32, #tpu.memory_space<vmem>> -> memref<1x128xi32, #tpu.memory_space<vmem>>
        %dma_start3A_122 = tpu.memref_squeeze %dma_start3A_121 : memref<1x128xi32, #tpu.memory_space<vmem>> -> memref<128xi32, #tpu.memory_space<vmem>>
        %dma_start3A_123 = arith.constant 0 : i32
        %dma_start3A_124 = arith.constant 0 : i32
        %dma_start3A_125 = tpu.memref_slice %arg7[%dma_start3A_123, %dma_start3A_124] : memref<10112x128xf32, #tpu.memory_space<vmem_shared>> -> memref<10112x128xf32, #tpu.memory_space<vmem_shared>>
        tpu.enqueue_indirect_dma source(%dma_start3A_119 : memref<128x128xf32, #tpu.memory_space<vmem>>) target(%dma_start3A_125 : memref<10112x128xf32, #tpu.memory_space<vmem_shared>>) offsets(%dma_start3A_122 : memref<128xi32, #tpu.memory_space<vmem>>) semaphore(%run_scoped3A_115 : memref<!tpu.dma_semaphore, #tpu.memory_space<semaphore_mem>>) {add = true}
        %dma_wait3A_126 = arith.constant 0 : i32
        %dma_wait3A_127 = arith.constant 0 : i32
        %dma_wait3A_128 = tpu.memref_slice %arg10[%run_scoped3A_107, %dma_wait3A_126, %dma_wait3A_127] : memref<2x128x128xf32, #tpu.memory_space<vmem>> -> memref<1x128x128xf32, #tpu.memory_space<vmem>>
        %dma_wait3A_129 = tpu.memref_squeeze %dma_wait3A_128 : memref<1x128x128xf32, #tpu.memory_space<vmem>> -> memref<128x128xf32, #tpu.memory_space<vmem>>
        %dma_wait3A_130 = arith.constant 0 : i32
        %dma_wait3A_131 = tpu.memref_slice %arg9[%add3A_94, %dma_wait3A_130] : memref<40x128xi32, #tpu.memory_space<vmem>> -> memref<1x128xi32, #tpu.memory_space<vmem>>
        %dma_wait3A_132 = tpu.memref_squeeze %dma_wait3A_131 : memref<1x128xi32, #tpu.memory_space<vmem>> -> memref<128xi32, #tpu.memory_space<vmem>>
        %dma_wait3A_133 = arith.constant 0 : i32
        %dma_wait3A_134 = arith.constant 0 : i32
        %dma_wait3A_135 = tpu.memref_slice %arg7[%dma_wait3A_133, %dma_wait3A_134] : memref<10112x128xf32, #tpu.memory_space<vmem_shared>> -> memref<10112x128xf32, #tpu.memory_space<vmem_shared>>
        tpu.wait_indirect_dma semaphore(%run_scoped3A_115 : memref<!tpu.dma_semaphore, #tpu.memory_space<semaphore_mem>>) src(%dma_wait3A_129 : memref<128x128xf32, #tpu.memory_space<vmem>>) dst(%dma_wait3A_135 : memref<10112x128xf32, #tpu.memory_space<vmem_shared>>)
        tpu.yield
      }) : () -> ()
      %add3A_108 = arith.constant 1 : i32
      %add3A_109 = arith.addi %scan3A_70, %add3A_108 : i32
      %lt3A_110 = arith.constant 20 : i32
      %lt3A_111 = arith.cmpi slt, %add3A_109, %lt3A_110 : i32
      %convert_element_type3A_112 = arith.extui %lt3A_111 : i1 to i32
      %cond3A_113 = arith.constant 0 : i32
      %cond3A_114 = arith.cmpi ne, %convert_element_type3A_112, %cond3A_113 : i32
      scf.if %cond3A_114 {
        %add3A_115 = arith.constant 2 : i32
        %add3A_116 = arith.addi %add3A_94, %add3A_115 : i32
        %dma_start3A_117 = arith.constant 1 : i32
        %dma_start3A_118 = arith.constant 0 : i32
        %dma_start3A_119 = arith.constant 0 : i32
        %dma_start3A_120 = tpu.memref_slice %arg10[%dma_start3A_117, %dma_start3A_118, %dma_start3A_119] : memref<2x128x128xf32, #tpu.memory_space<vmem>> -> memref<1x128x128xf32, #tpu.memory_space<vmem>>
        %dma_start3A_121 = tpu.memref_squeeze %dma_start3A_120 : memref<1x128x128xf32, #tpu.memory_space<vmem>> -> memref<128x128xf32, #tpu.memory_space<vmem>>
        %dma_start3A_122 = arith.constant 0 : i32
        %dma_start3A_123 = tpu.memref_slice %arg8[%add3A_116, %dma_start3A_122] : memref<40x128xi32, #tpu.memory_space<vmem>> -> memref<1x128xi32, #tpu.memory_space<vmem>>
        %dma_start3A_124 = tpu.memref_squeeze %dma_start3A_123 : memref<1x128xi32, #tpu.memory_space<vmem>> -> memref<128xi32, #tpu.memory_space<vmem>>
        %dma_start3A_125 = arith.constant 0 : i32
        %dma_start3A_126 = arith.constant 0 : i32
        %dma_start3A_127 = tpu.memref_slice %arg2[%dma_start3A_125, %dma_start3A_126] : memref<10000x128xf32, #tpu.memory_space<hbm>> -> memref<10000x128xf32, #tpu.memory_space<hbm>>
        tpu.enqueue_indirect_dma source(%dma_start3A_127 : memref<10000x128xf32, #tpu.memory_space<hbm>>) target(%dma_start3A_121 : memref<128x128xf32, #tpu.memory_space<vmem>>) offsets(%dma_start3A_124 : memref<128xi32, #tpu.memory_space<vmem>>) semaphore(%arg12 : memref<!tpu.dma_semaphore, #tpu.memory_space<semaphore_mem>>)
      } else {
      }
    }
    %scan3A_61 = arith.constant 20 : i32
    %barrier3A_62 = arith.constant 0 : index
    tpu.barrier barrier_id(%barrier3A_62)
    %mul3A_63 = arith.constant 10112 : i32
    %mul3A_64 = arith.muli %arg0, %mul3A_63 : i32
    %mul3A_65 = arith.constant 632 : i32
    %mul3A_66 = arith.muli %arg1, %mul3A_65 : i32
    %add3A_67 = arith.addi %mul3A_64, %mul3A_66 : i32
    %mul3A_68 = arith.constant 632 : i32
    %mul3A_69 = arith.muli %arg1, %mul3A_68 : i32
    "tpu.region"() ({
      %run_scoped3A = tpu.sem_alloc : memref<!tpu.dma_semaphore, #tpu.memory_space<semaphore_mem>>
      %dma_start3A_70 = arith.constant 0 : i32
      %dma_start3A_71 = tpu.memref_slice %arg6[%add3A_67, %dma_start3A_70] : memref<20224x128xf32, #tpu.memory_space<hbm>> -> memref<632x128xf32, #tpu.memory_space<hbm>>
      %dma_start3A_72 = arith.constant 0 : i32
      %dma_start3A_73 = tpu.memref_slice %arg7[%mul3A_69, %dma_start3A_72] : memref<10112x128xf32, #tpu.memory_space<vmem_shared>> -> memref<632x128xf32, #tpu.memory_space<vmem_shared>>
      tpu.enqueue_dma source(%dma_start3A_73 : memref<632x128xf32, #tpu.memory_space<vmem_shared>>) target(%dma_start3A_71 : memref<632x128xf32, #tpu.memory_space<hbm>>) target_semaphore(%run_scoped3A : memref<!tpu.dma_semaphore, #tpu.memory_space<semaphore_mem>>)
      %dma_wait3A_74 = arith.constant 0 : i32
      %dma_wait3A_75 = tpu.memref_slice %arg6[%add3A_67, %dma_wait3A_74] : memref<20224x128xf32, #tpu.memory_space<hbm>> -> memref<632x128xf32, #tpu.memory_space<hbm>>
      %dma_wait3A_76 = arith.constant 0 : i32
      %dma_wait3A_77 = tpu.memref_slice %arg7[%mul3A_69, %dma_wait3A_76] : memref<10112x128xf32, #tpu.memory_space<vmem_shared>> -> memref<632x128xf32, #tpu.memory_space<vmem_shared>>
      tpu.wait_dma2 semaphore(%run_scoped3A : memref<!tpu.dma_semaphore, #tpu.memory_space<semaphore_mem>>) src(%dma_wait3A_77 : memref<632x128xf32, #tpu.memory_space<vmem_shared>>) dst(%dma_wait3A_75 : memref<632x128xf32, #tpu.memory_space<hbm>>)
      tpu.yield
    }) : () -> ()
    return
  }
}

#map = affine_map<(d0, d1) -> (0, 0)>
#map1 = affine_map<(d0, d1) -> (0, 0, 0)>
module attributes {stable_mosaic.version = 14 : i64} {
  func.func @_sc_scatter_body(%arg0: i32, %arg1: i32, %arg2: memref<10000x128xf32, #tpu.memory_space<hbm>>, %arg3: memref<32x40x128xi32, #tpu.memory_space<hbm>>, %arg4: memref<32x40x128xi32, #tpu.memory_space<hbm>>, %arg5: memref<632x128xf32, #tpu.memory_space<hbm>>, %arg6: memref<20224x128xf32, #tpu.memory_space<hbm>>, %arg7: memref<10112x128xf32, #tpu.memory_space<vmem_shared>>, %arg8: memref<40x128xi32, #tpu.memory_space<vmem>>, %arg9: memref<40x128xi32, #tpu.memory_space<vmem>>, %arg10: memref<2x128x128xf32, #tpu.memory_space<vmem>>, %arg11: memref<!tpu.dma_semaphore, #tpu.memory_space<semaphore_mem>>, %arg12: memref<!tpu.dma_semaphore, #tpu.memory_space<semaphore_mem>>, %arg13: memref<!tpu.dma_semaphore, #tpu.memory_space<semaphore_mem>>) attributes {dimension_semantics = [#tpu.dimension_semantics<core_parallel>, #tpu.dimension_semantics<subcore_parallel>], iteration_bounds = array<i64: 2, 16>, scalar_prefetch = 0 : i64, scratch_operands = 7 : i64, tpu.core_type = #tpu.core_type<sc_vector_subcore>, window_params = [{transform_indices = #map}, {transform_indices = #map1}, {transform_indices = #map1}, {transform_indices = #map}, {transform_indices = #map}]} {
    %mul3A = arith.constant 16 : i32
    %mul3A_0 = arith.muli %arg0, %mul3A : i32
    %add3A = arith.addi %mul3A_0, %arg1 : i32
    %dma_start3A = arith.constant 0 : i32
    %dma_start3A_1 = arith.constant 0 : i32
    %dma_start3A_2 = tpu.memref_slice %arg3[%add3A, %dma_start3A, %dma_start3A_1] : memref<32x40x128xi32, #tpu.memory_space<hbm>> -> memref<1x40x128xi32, #tpu.memory_space<hbm>>
    %dma_start3A_3 = tpu.memref_squeeze %dma_start3A_2 : memref<1x40x128xi32, #tpu.memory_space<hbm>> -> memref<40x128xi32, #tpu.memory_space<hbm>>
    %dma_start3A_4 = arith.constant 0 : i32
    %dma_start3A_5 = arith.constant 0 : i32
    %dma_start3A_6 = tpu.memref_slice %arg3[%add3A, %dma_start3A_4, %dma_start3A_5] : memref<32x40x128xi32, #tpu.memory_space<hbm>> -> memref<1x40x128xi32, #tpu.memory_space<hbm>>
    %dma_start3A_7 = tpu.memref_squeeze %dma_start3A_6 : memref<1x40x128xi32, #tpu.memory_space<hbm>> -> memref<40x128xi32, #tpu.memory_space<hbm>>
    tpu.enqueue_dma source(%dma_start3A_7 : memref<40x128xi32, #tpu.memory_space<hbm>>) target(%arg8 : memref<40x128xi32, #tpu.memory_space<vmem>>) target_semaphore(%arg13 : memref<!tpu.dma_semaphore, #tpu.memory_space<semaphore_mem>>)
    %dma_start3A_8 = arith.constant 0 : i32
    %dma_start3A_9 = arith.constant 0 : i32
    %dma_start3A_10 = tpu.memref_slice %arg4[%add3A, %dma_start3A_8, %dma_start3A_9] : memref<32x40x128xi32, #tpu.memory_space<hbm>> -> memref<1x40x128xi32, #tpu.memory_space<hbm>>
    %dma_start3A_11 = tpu.memref_squeeze %dma_start3A_10 : memref<1x40x128xi32, #tpu.memory_space<hbm>> -> memref<40x128xi32, #tpu.memory_space<hbm>>
    %dma_start3A_12 = arith.constant 0 : i32
    %dma_start3A_13 = arith.constant 0 : i32
    %dma_start3A_14 = tpu.memref_slice %arg4[%add3A, %dma_start3A_12, %dma_start3A_13] : memref<32x40x128xi32, #tpu.memory_space<hbm>> -> memref<1x40x128xi32, #tpu.memory_space<hbm>>
    %dma_start3A_15 = tpu.memref_squeeze %dma_start3A_14 : memref<1x40x128xi32, #tpu.memory_space<hbm>> -> memref<40x128xi32, #tpu.memory_space<hbm>>
    tpu.enqueue_dma source(%dma_start3A_15 : memref<40x128xi32, #tpu.memory_space<hbm>>) target(%arg9 : memref<40x128xi32, #tpu.memory_space<vmem>>) target_semaphore(%arg13 : memref<!tpu.dma_semaphore, #tpu.memory_space<semaphore_mem>>)
    %mul3A_16 = arith.constant 632 : i32
    %mul3A_17 = arith.muli %arg1, %mul3A_16 : i32
    "tpu.region"() ({
      %run_scoped3A = tpu.sem_alloc : memref<!tpu.dma_semaphore, #tpu.memory_space<semaphore_mem>>
      %dma_start3A_70 = arith.constant 0 : i32
      %dma_start3A_71 = tpu.memref_slice %arg7[%mul3A_17, %dma_start3A_70] : memref<10112x128xf32, #tpu.memory_space<vmem_shared>> -> memref<632x128xf32, #tpu.memory_space<vmem_shared>>
      tpu.enqueue_dma source(%arg5 : memref<632x128xf32, #tpu.memory_space<hbm>>) target(%dma_start3A_71 : memref<632x128xf32, #tpu.memory_space<vmem_shared>>) target_semaphore(%run_scoped3A : memref<!tpu.dma_semaphore, #tpu.memory_space<semaphore_mem>>)
      %dma_wait3A_72 = arith.constant 0 : i32
      %dma_wait3A_73 = tpu.memref_slice %arg7[%mul3A_17, %dma_wait3A_72] : memref<10112x128xf32, #tpu.memory_space<vmem_shared>> -> memref<632x128xf32, #tpu.memory_space<vmem_shared>>
      tpu.wait_dma2 semaphore(%run_scoped3A : memref<!tpu.dma_semaphore, #tpu.memory_space<semaphore_mem>>) src(%arg5 : memref<632x128xf32, #tpu.memory_space<hbm>>) dst(%dma_wait3A_73 : memref<632x128xf32, #tpu.memory_space<vmem_shared>>)
      tpu.yield
    }) : () -> ()
    %dma_wait3A = arith.constant 0 : i32
    %dma_wait3A_18 = arith.constant 0 : i32
    %dma_wait3A_19 = tpu.memref_slice %arg3[%add3A, %dma_wait3A, %dma_wait3A_18] : memref<32x40x128xi32, #tpu.memory_space<hbm>> -> memref<1x40x128xi32, #tpu.memory_space<hbm>>
    %dma_wait3A_20 = tpu.memref_squeeze %dma_wait3A_19 : memref<1x40x128xi32, #tpu.memory_space<hbm>> -> memref<40x128xi32, #tpu.memory_space<hbm>>
    %dma_wait3A_21 = arith.constant 0 : i32
    %dma_wait3A_22 = arith.constant 0 : i32
    %dma_wait3A_23 = tpu.memref_slice %arg3[%add3A, %dma_wait3A_21, %dma_wait3A_22] : memref<32x40x128xi32, #tpu.memory_space<hbm>> -> memref<1x40x128xi32, #tpu.memory_space<hbm>>
    %dma_wait3A_24 = tpu.memref_squeeze %dma_wait3A_23 : memref<1x40x128xi32, #tpu.memory_space<hbm>> -> memref<40x128xi32, #tpu.memory_space<hbm>>
    tpu.wait_dma2 semaphore(%arg13 : memref<!tpu.dma_semaphore, #tpu.memory_space<semaphore_mem>>) src(%dma_wait3A_24 : memref<40x128xi32, #tpu.memory_space<hbm>>) dst(%arg8 : memref<40x128xi32, #tpu.memory_space<vmem>>)
    %dma_wait3A_25 = arith.constant 0 : i32
    %dma_wait3A_26 = arith.constant 0 : i32
    %dma_wait3A_27 = tpu.memref_slice %arg4[%add3A, %dma_wait3A_25, %dma_wait3A_26] : memref<32x40x128xi32, #tpu.memory_space<hbm>> -> memref<1x40x128xi32, #tpu.memory_space<hbm>>
    %dma_wait3A_28 = tpu.memref_squeeze %dma_wait3A_27 : memref<1x40x128xi32, #tpu.memory_space<hbm>> -> memref<40x128xi32, #tpu.memory_space<hbm>>
    %dma_wait3A_29 = arith.constant 0 : i32
    %dma_wait3A_30 = arith.constant 0 : i32
    %dma_wait3A_31 = tpu.memref_slice %arg4[%add3A, %dma_wait3A_29, %dma_wait3A_30] : memref<32x40x128xi32, #tpu.memory_space<hbm>> -> memref<1x40x128xi32, #tpu.memory_space<hbm>>
    %dma_wait3A_32 = tpu.memref_squeeze %dma_wait3A_31 : memref<1x40x128xi32, #tpu.memory_space<hbm>> -> memref<40x128xi32, #tpu.memory_space<hbm>>
    tpu.wait_dma2 semaphore(%arg13 : memref<!tpu.dma_semaphore, #tpu.memory_space<semaphore_mem>>) src(%dma_wait3A_32 : memref<40x128xi32, #tpu.memory_space<hbm>>) dst(%arg9 : memref<40x128xi32, #tpu.memory_space<vmem>>)
    %dma_start3A_33 = arith.constant 0 : i32
    %dma_start3A_34 = arith.constant 0 : i32
    %dma_start3A_35 = arith.constant 0 : i32
    %dma_start3A_36 = arith.constant 0 : i32
    %dma_start3A_37 = tpu.memref_slice %arg10[%dma_start3A_34, %dma_start3A_35, %dma_start3A_36] : memref<2x128x128xf32, #tpu.memory_space<vmem>> -> memref<1x128x128xf32, #tpu.memory_space<vmem>>
    %dma_start3A_38 = tpu.memref_squeeze %dma_start3A_37 : memref<1x128x128xf32, #tpu.memory_space<vmem>> -> memref<128x128xf32, #tpu.memory_space<vmem>>
    %dma_start3A_39 = arith.constant 0 : i32
    %dma_start3A_40 = tpu.memref_slice %arg8[%dma_start3A_33, %dma_start3A_39] : memref<40x128xi32, #tpu.memory_space<vmem>> -> memref<1x128xi32, #tpu.memory_space<vmem>>
    %dma_start3A_41 = tpu.memref_squeeze %dma_start3A_40 : memref<1x128xi32, #tpu.memory_space<vmem>> -> memref<128xi32, #tpu.memory_space<vmem>>
    %dma_start3A_42 = arith.constant 0 : i32
    %dma_start3A_43 = arith.constant 0 : i32
    %dma_start3A_44 = tpu.memref_slice %arg2[%dma_start3A_42, %dma_start3A_43] : memref<10000x128xf32, #tpu.memory_space<hbm>> -> memref<10000x128xf32, #tpu.memory_space<hbm>>
    tpu.enqueue_indirect_dma source(%dma_start3A_44 : memref<10000x128xf32, #tpu.memory_space<hbm>>) target(%dma_start3A_38 : memref<128x128xf32, #tpu.memory_space<vmem>>) offsets(%dma_start3A_41 : memref<128xi32, #tpu.memory_space<vmem>>) semaphore(%arg11 : memref<!tpu.dma_semaphore, #tpu.memory_space<semaphore_mem>>)
    %dma_start3A_45 = arith.constant 1 : i32
    %dma_start3A_46 = arith.constant 1 : i32
    %dma_start3A_47 = arith.constant 0 : i32
    %dma_start3A_48 = arith.constant 0 : i32
    %dma_start3A_49 = tpu.memref_slice %arg10[%dma_start3A_46, %dma_start3A_47, %dma_start3A_48] : memref<2x128x128xf32, #tpu.memory_space<vmem>> -> memref<1x128x128xf32, #tpu.memory_space<vmem>>
    %dma_start3A_50 = tpu.memref_squeeze %dma_start3A_49 : memref<1x128x128xf32, #tpu.memory_space<vmem>> -> memref<128x128xf32, #tpu.memory_space<vmem>>
    %dma_start3A_51 = arith.constant 0 : i32
    %dma_start3A_52 = tpu.memref_slice %arg8[%dma_start3A_45, %dma_start3A_51] : memref<40x128xi32, #tpu.memory_space<vmem>> -> memref<1x128xi32, #tpu.memory_space<vmem>>
    %dma_start3A_53 = tpu.memref_squeeze %dma_start3A_52 : memref<1x128xi32, #tpu.memory_space<vmem>> -> memref<128xi32, #tpu.memory_space<vmem>>
    %dma_start3A_54 = arith.constant 0 : i32
    %dma_start3A_55 = arith.constant 0 : i32
    %dma_start3A_56 = tpu.memref_slice %arg2[%dma_start3A_54, %dma_start3A_55] : memref<10000x128xf32, #tpu.memory_space<hbm>> -> memref<10000x128xf32, #tpu.memory_space<hbm>>
    tpu.enqueue_indirect_dma source(%dma_start3A_56 : memref<10000x128xf32, #tpu.memory_space<hbm>>) target(%dma_start3A_50 : memref<128x128xf32, #tpu.memory_space<vmem>>) offsets(%dma_start3A_53 : memref<128xi32, #tpu.memory_space<vmem>>) semaphore(%arg12 : memref<!tpu.dma_semaphore, #tpu.memory_space<semaphore_mem>>)
    %barrier3A = arith.constant 0 : index
    tpu.barrier barrier_id(%barrier3A)
    %scan3A = arith.constant 0 : i32
    %scan3A_57 = arith.constant 0 : i32
    %scan3A_58 = arith.constant 20 : i32
    %scan3A_59 = arith.addi %scan3A_57, %scan3A_58 : i32
    %scan3A_60 = arith.constant 1 : i32
    scf.for %scan3A_70 = %scan3A_57 to %scan3A_59 step %scan3A_60  : i32 {
      %mul3A_71 = arith.constant 2 : i32
      %mul3A_72 = arith.muli %scan3A_70, %mul3A_71 : i32
      %add3A_73 = arith.constant 0 : i32
      %add3A_74 = arith.addi %mul3A_72, %add3A_73 : i32
      %dma_wait3A_75 = arith.constant 0 : i32
      %dma_wait3A_76 = arith.constant 0 : i32
      %dma_wait3A_77 = arith.constant 0 : i32
      %dma_wait3A_78 = arith.constant 0 : i32
      %dma_wait3A_79 = tpu.memref_slice %arg10[%dma_wait3A_76, %dma_wait3A_77, %dma_wait3A_78] : memref<2x128x128xf32, #tpu.memory_space<vmem>> -> memref<1x128x128xf32, #tpu.memory_space<vmem>>
      %dma_wait3A_80 = tpu.memref_squeeze %dma_wait3A_79 : memref<1x128x128xf32, #tpu.memory_space<vmem>> -> memref<128x128xf32, #tpu.memory_space<vmem>>
      %dma_wait3A_81 = arith.constant 0 : i32
      %dma_wait3A_82 = tpu.memref_slice %arg8[%dma_wait3A_75, %dma_wait3A_81] : memref<40x128xi32, #tpu.memory_space<vmem>> -> memref<1x128xi32, #tpu.memory_space<vmem>>
      %dma_wait3A_83 = tpu.memref_squeeze %dma_wait3A_82 : memref<1x128xi32, #tpu.memory_space<vmem>> -> memref<128xi32, #tpu.memory_space<vmem>>
      %dma_wait3A_84 = arith.constant 0 : i32
      %dma_wait3A_85 = arith.constant 0 : i32
      %dma_wait3A_86 = tpu.memref_slice %arg2[%dma_wait3A_84, %dma_wait3A_85] : memref<10000x128xf32, #tpu.memory_space<hbm>> -> memref<10000x128xf32, #tpu.memory_space<hbm>>
      tpu.wait_indirect_dma semaphore(%arg11 : memref<!tpu.dma_semaphore, #tpu.memory_space<semaphore_mem>>) src(%dma_wait3A_86 : memref<10000x128xf32, #tpu.memory_space<hbm>>) dst(%dma_wait3A_80 : memref<128x128xf32, #tpu.memory_space<vmem>>)
      %run_scoped3A = arith.constant 0 : i32
      "tpu.region"() ({
        %run_scoped3A_115 = tpu.sem_alloc : memref<!tpu.dma_semaphore, #tpu.memory_space<semaphore_mem>>
        %dma_start3A_116 = arith.constant 0 : i32
        %dma_start3A_117 = arith.constant 0 : i32
        %dma_start3A_118 = tpu.memref_slice %arg10[%run_scoped3A, %dma_start3A_116, %dma_start3A_117] : memref<2x128x128xf32, #tpu.memory_space<vmem>> -> memref<1x128x128xf32, #tpu.memory_space<vmem>>
        %dma_start3A_119 = tpu.memref_squeeze %dma_start3A_118 : memref<1x128x128xf32, #tpu.memory_space<vmem>> -> memref<128x128xf32, #tpu.memory_space<vmem>>
        %dma_start3A_120 = arith.constant 0 : i32
        %dma_start3A_121 = tpu.memref_slice %arg9[%add3A_74, %dma_start3A_120] : memref<40x128xi32, #tpu.memory_space<vmem>> -> memref<1x128xi32, #tpu.memory_space<vmem>>
        %dma_start3A_122 = tpu.memref_squeeze %dma_start3A_121 : memref<1x128xi32, #tpu.memory_space<vmem>> -> memref<128xi32, #tpu.memory_space<vmem>>
        %dma_start3A_123 = arith.constant 0 : i32
        %dma_start3A_124 = arith.constant 0 : i32
        %dma_start3A_125 = tpu.memref_slice %arg7[%dma_start3A_123, %dma_start3A_124] : memref<10112x128xf32, #tpu.memory_space<vmem_shared>> -> memref<10112x128xf32, #tpu.memory_space<vmem_shared>>
        tpu.enqueue_indirect_dma source(%dma_start3A_119 : memref<128x128xf32, #tpu.memory_space<vmem>>) target(%dma_start3A_125 : memref<10112x128xf32, #tpu.memory_space<vmem_shared>>) offsets(%dma_start3A_122 : memref<128xi32, #tpu.memory_space<vmem>>) semaphore(%run_scoped3A_115 : memref<!tpu.dma_semaphore, #tpu.memory_space<semaphore_mem>>) {add = true}
        %dma_wait3A_126 = arith.constant 0 : i32
        %dma_wait3A_127 = arith.constant 0 : i32
        %dma_wait3A_128 = tpu.memref_slice %arg10[%run_scoped3A, %dma_wait3A_126, %dma_wait3A_127] : memref<2x128x128xf32, #tpu.memory_space<vmem>> -> memref<1x128x128xf32, #tpu.memory_space<vmem>>
        %dma_wait3A_129 = tpu.memref_squeeze %dma_wait3A_128 : memref<1x128x128xf32, #tpu.memory_space<vmem>> -> memref<128x128xf32, #tpu.memory_space<vmem>>
        %dma_wait3A_130 = arith.constant 0 : i32
        %dma_wait3A_131 = tpu.memref_slice %arg9[%add3A_74, %dma_wait3A_130] : memref<40x128xi32, #tpu.memory_space<vmem>> -> memref<1x128xi32, #tpu.memory_space<vmem>>
        %dma_wait3A_132 = tpu.memref_squeeze %dma_wait3A_131 : memref<1x128xi32, #tpu.memory_space<vmem>> -> memref<128xi32, #tpu.memory_space<vmem>>
        %dma_wait3A_133 = arith.constant 0 : i32
        %dma_wait3A_134 = arith.constant 0 : i32
        %dma_wait3A_135 = tpu.memref_slice %arg7[%dma_wait3A_133, %dma_wait3A_134] : memref<10112x128xf32, #tpu.memory_space<vmem_shared>> -> memref<10112x128xf32, #tpu.memory_space<vmem_shared>>
        tpu.wait_indirect_dma semaphore(%run_scoped3A_115 : memref<!tpu.dma_semaphore, #tpu.memory_space<semaphore_mem>>) src(%dma_wait3A_129 : memref<128x128xf32, #tpu.memory_space<vmem>>) dst(%dma_wait3A_135 : memref<10112x128xf32, #tpu.memory_space<vmem_shared>>)
        tpu.yield
      }) : () -> ()
      %add3A_87 = arith.constant 1 : i32
      %add3A_88 = arith.addi %scan3A_70, %add3A_87 : i32
      %lt3A = arith.constant 20 : i32
      %lt3A_89 = arith.cmpi slt, %add3A_88, %lt3A : i32
      %convert_element_type3A = arith.extui %lt3A_89 : i1 to i32
      %cond3A = arith.constant 0 : i32
      %cond3A_90 = arith.cmpi ne, %convert_element_type3A, %cond3A : i32
      scf.if %cond3A_90 {
        %add3A_115 = arith.constant 2 : i32
        %add3A_116 = arith.addi %add3A_74, %add3A_115 : i32
        %dma_start3A_117 = arith.constant 0 : i32
        %dma_start3A_118 = arith.constant 0 : i32
        %dma_start3A_119 = arith.constant 0 : i32
        %dma_start3A_120 = tpu.memref_slice %arg10[%dma_start3A_117, %dma_start3A_118, %dma_start3A_119] : memref<2x128x128xf32, #tpu.memory_space<vmem>> -> memref<1x128x128xf32, #tpu.memory_space<vmem>>
        %dma_start3A_121 = tpu.memref_squeeze %dma_start3A_120 : memref<1x128x128xf32, #tpu.memory_space<vmem>> -> memref<128x128xf32, #tpu.memory_space<vmem>>
        %dma_start3A_122 = arith.constant 0 : i32
        %dma_start3A_123 = tpu.memref_slice %arg8[%add3A_116, %dma_start3A_122] : memref<40x128xi32, #tpu.memory_space<vmem>> -> memref<1x128xi32, #tpu.memory_space<vmem>>
        %dma_start3A_124 = tpu.memref_squeeze %dma_start3A_123 : memref<1x128xi32, #tpu.memory_space<vmem>> -> memref<128xi32, #tpu.memory_space<vmem>>
        %dma_start3A_125 = arith.constant 0 : i32
        %dma_start3A_126 = arith.constant 0 : i32
        %dma_start3A_127 = tpu.memref_slice %arg2[%dma_start3A_125, %dma_start3A_126] : memref<10000x128xf32, #tpu.memory_space<hbm>> -> memref<10000x128xf32, #tpu.memory_space<hbm>>
        tpu.enqueue_indirect_dma source(%dma_start3A_127 : memref<10000x128xf32, #tpu.memory_space<hbm>>) target(%dma_start3A_121 : memref<128x128xf32, #tpu.memory_space<vmem>>) offsets(%dma_start3A_124 : memref<128xi32, #tpu.memory_space<vmem>>) semaphore(%arg11 : memref<!tpu.dma_semaphore, #tpu.memory_space<semaphore_mem>>)
      } else {
      }
      %mul3A_91 = arith.constant 2 : i32
      %mul3A_92 = arith.muli %scan3A_70, %mul3A_91 : i32
      %add3A_93 = arith.constant 1 : i32
      %add3A_94 = arith.addi %mul3A_92, %add3A_93 : i32
      %dma_wait3A_95 = arith.constant 0 : i32
      %dma_wait3A_96 = arith.constant 1 : i32
      %dma_wait3A_97 = arith.constant 0 : i32
      %dma_wait3A_98 = arith.constant 0 : i32
      %dma_wait3A_99 = tpu.memref_slice %arg10[%dma_wait3A_96, %dma_wait3A_97, %dma_wait3A_98] : memref<2x128x128xf32, #tpu.memory_space<vmem>> -> memref<1x128x128xf32, #tpu.memory_space<vmem>>
      %dma_wait3A_100 = tpu.memref_squeeze %dma_wait3A_99 : memref<1x128x128xf32, #tpu.memory_space<vmem>> -> memref<128x128xf32, #tpu.memory_space<vmem>>
      %dma_wait3A_101 = arith.constant 0 : i32
      %dma_wait3A_102 = tpu.memref_slice %arg8[%dma_wait3A_95, %dma_wait3A_101] : memref<40x128xi32, #tpu.memory_space<vmem>> -> memref<1x128xi32, #tpu.memory_space<vmem>>
      %dma_wait3A_103 = tpu.memref_squeeze %dma_wait3A_102 : memref<1x128xi32, #tpu.memory_space<vmem>> -> memref<128xi32, #tpu.memory_space<vmem>>
      %dma_wait3A_104 = arith.constant 0 : i32
      %dma_wait3A_105 = arith.constant 0 : i32
      %dma_wait3A_106 = tpu.memref_slice %arg2[%dma_wait3A_104, %dma_wait3A_105] : memref<10000x128xf32, #tpu.memory_space<hbm>> -> memref<10000x128xf32, #tpu.memory_space<hbm>>
      tpu.wait_indirect_dma semaphore(%arg12 : memref<!tpu.dma_semaphore, #tpu.memory_space<semaphore_mem>>) src(%dma_wait3A_106 : memref<10000x128xf32, #tpu.memory_space<hbm>>) dst(%dma_wait3A_100 : memref<128x128xf32, #tpu.memory_space<vmem>>)
      %run_scoped3A_107 = arith.constant 1 : i32
      "tpu.region"() ({
        %run_scoped3A_115 = tpu.sem_alloc : memref<!tpu.dma_semaphore, #tpu.memory_space<semaphore_mem>>
        %dma_start3A_116 = arith.constant 0 : i32
        %dma_start3A_117 = arith.constant 0 : i32
        %dma_start3A_118 = tpu.memref_slice %arg10[%run_scoped3A_107, %dma_start3A_116, %dma_start3A_117] : memref<2x128x128xf32, #tpu.memory_space<vmem>> -> memref<1x128x128xf32, #tpu.memory_space<vmem>>
        %dma_start3A_119 = tpu.memref_squeeze %dma_start3A_118 : memref<1x128x128xf32, #tpu.memory_space<vmem>> -> memref<128x128xf32, #tpu.memory_space<vmem>>
        %dma_start3A_120 = arith.constant 0 : i32
        %dma_start3A_121 = tpu.memref_slice %arg9[%add3A_94, %dma_start3A_120] : memref<40x128xi32, #tpu.memory_space<vmem>> -> memref<1x128xi32, #tpu.memory_space<vmem>>
        %dma_start3A_122 = tpu.memref_squeeze %dma_start3A_121 : memref<1x128xi32, #tpu.memory_space<vmem>> -> memref<128xi32, #tpu.memory_space<vmem>>
        %dma_start3A_123 = arith.constant 0 : i32
        %dma_start3A_124 = arith.constant 0 : i32
        %dma_start3A_125 = tpu.memref_slice %arg7[%dma_start3A_123, %dma_start3A_124] : memref<10112x128xf32, #tpu.memory_space<vmem_shared>> -> memref<10112x128xf32, #tpu.memory_space<vmem_shared>>
        tpu.enqueue_indirect_dma source(%dma_start3A_119 : memref<128x128xf32, #tpu.memory_space<vmem>>) target(%dma_start3A_125 : memref<10112x128xf32, #tpu.memory_space<vmem_shared>>) offsets(%dma_start3A_122 : memref<128xi32, #tpu.memory_space<vmem>>) semaphore(%run_scoped3A_115 : memref<!tpu.dma_semaphore, #tpu.memory_space<semaphore_mem>>) {add = true}
        %dma_wait3A_126 = arith.constant 0 : i32
        %dma_wait3A_127 = arith.constant 0 : i32
        %dma_wait3A_128 = tpu.memref_slice %arg10[%run_scoped3A_107, %dma_wait3A_126, %dma_wait3A_127] : memref<2x128x128xf32, #tpu.memory_space<vmem>> -> memref<1x128x128xf32, #tpu.memory_space<vmem>>
        %dma_wait3A_129 = tpu.memref_squeeze %dma_wait3A_128 : memref<1x128x128xf32, #tpu.memory_space<vmem>> -> memref<128x128xf32, #tpu.memory_space<vmem>>
        %dma_wait3A_130 = arith.constant 0 : i32
        %dma_wait3A_131 = tpu.memref_slice %arg9[%add3A_94, %dma_wait3A_130] : memref<40x128xi32, #tpu.memory_space<vmem>> -> memref<1x128xi32, #tpu.memory_space<vmem>>
        %dma_wait3A_132 = tpu.memref_squeeze %dma_wait3A_131 : memref<1x128xi32, #tpu.memory_space<vmem>> -> memref<128xi32, #tpu.memory_space<vmem>>
        %dma_wait3A_133 = arith.constant 0 : i32
        %dma_wait3A_134 = arith.constant 0 : i32
        %dma_wait3A_135 = tpu.memref_slice %arg7[%dma_wait3A_133, %dma_wait3A_134] : memref<10112x128xf32, #tpu.memory_space<vmem_shared>> -> memref<10112x128xf32, #tpu.memory_space<vmem_shared>>
        tpu.wait_indirect_dma semaphore(%run_scoped3A_115 : memref<!tpu.dma_semaphore, #tpu.memory_space<semaphore_mem>>) src(%dma_wait3A_129 : memref<128x128xf32, #tpu.memory_space<vmem>>) dst(%dma_wait3A_135 : memref<10112x128xf32, #tpu.memory_space<vmem_shared>>)
        tpu.yield
      }) : () -> ()
      %add3A_108 = arith.constant 1 : i32
      %add3A_109 = arith.addi %scan3A_70, %add3A_108 : i32
      %lt3A_110 = arith.constant 20 : i32
      %lt3A_111 = arith.cmpi slt, %add3A_109, %lt3A_110 : i32
      %convert_element_type3A_112 = arith.extui %lt3A_111 : i1 to i32
      %cond3A_113 = arith.constant 0 : i32
      %cond3A_114 = arith.cmpi ne, %convert_element_type3A_112, %cond3A_113 : i32
      scf.if %cond3A_114 {
        %add3A_115 = arith.constant 2 : i32
        %add3A_116 = arith.addi %add3A_94, %add3A_115 : i32
        %dma_start3A_117 = arith.constant 1 : i32
        %dma_start3A_118 = arith.constant 0 : i32
        %dma_start3A_119 = arith.constant 0 : i32
        %dma_start3A_120 = tpu.memref_slice %arg10[%dma_start3A_117, %dma_start3A_118, %dma_start3A_119] : memref<2x128x128xf32, #tpu.memory_space<vmem>> -> memref<1x128x128xf32, #tpu.memory_space<vmem>>
        %dma_start3A_121 = tpu.memref_squeeze %dma_start3A_120 : memref<1x128x128xf32, #tpu.memory_space<vmem>> -> memref<128x128xf32, #tpu.memory_space<vmem>>
        %dma_start3A_122 = arith.constant 0 : i32
        %dma_start3A_123 = tpu.memref_slice %arg8[%add3A_116, %dma_start3A_122] : memref<40x128xi32, #tpu.memory_space<vmem>> -> memref<1x128xi32, #tpu.memory_space<vmem>>
        %dma_start3A_124 = tpu.memref_squeeze %dma_start3A_123 : memref<1x128xi32, #tpu.memory_space<vmem>> -> memref<128xi32, #tpu.memory_space<vmem>>
        %dma_start3A_125 = arith.constant 0 : i32
        %dma_start3A_126 = arith.constant 0 : i32
        %dma_start3A_127 = tpu.memref_slice %arg2[%dma_start3A_125, %dma_start3A_126] : memref<10000x128xf32, #tpu.memory_space<hbm>> -> memref<10000x128xf32, #tpu.memory_space<hbm>>
        tpu.enqueue_indirect_dma source(%dma_start3A_127 : memref<10000x128xf32, #tpu.memory_space<hbm>>) target(%dma_start3A_121 : memref<128x128xf32, #tpu.memory_space<vmem>>) offsets(%dma_start3A_124 : memref<128xi32, #tpu.memory_space<vmem>>) semaphore(%arg12 : memref<!tpu.dma_semaphore, #tpu.memory_space<semaphore_mem>>)
      } else {
      }
    }
    %scan3A_61 = arith.constant 20 : i32
    %barrier3A_62 = arith.constant 0 : index
    tpu.barrier barrier_id(%barrier3A_62)
    %mul3A_63 = arith.constant 10112 : i32
    %mul3A_64 = arith.muli %arg0, %mul3A_63 : i32
    %mul3A_65 = arith.constant 632 : i32
    %mul3A_66 = arith.muli %arg1, %mul3A_65 : i32
    %add3A_67 = arith.addi %mul3A_64, %mul3A_66 : i32
    %mul3A_68 = arith.constant 632 : i32
    %mul3A_69 = arith.muli %arg1, %mul3A_68 : i32
    "tpu.region"() ({
      %run_scoped3A = tpu.sem_alloc : memref<!tpu.dma_semaphore, #tpu.memory_space<semaphore_mem>>
      %dma_start3A_70 = arith.constant 0 : i32
      %dma_start3A_71 = tpu.memref_slice %arg6[%add3A_67, %dma_start3A_70] : memref<20224x128xf32, #tpu.memory_space<hbm>> -> memref<632x128xf32, #tpu.memory_space<hbm>>
      %dma_start3A_72 = arith.constant 0 : i32
      %dma_start3A_73 = tpu.memref_slice %arg7[%mul3A_69, %dma_start3A_72] : memref<10112x128xf32, #tpu.memory_space<vmem_shared>> -> memref<632x128xf32, #tpu.memory_space<vmem_shared>>
      tpu.enqueue_dma source(%dma_start3A_73 : memref<632x128xf32, #tpu.memory_space<vmem_shared>>) target(%dma_start3A_71 : memref<632x128xf32, #tpu.memory_space<hbm>>) target_semaphore(%run_scoped3A : memref<!tpu.dma_semaphore, #tpu.memory_space<semaphore_mem>>)
      %dma_wait3A_74 = arith.constant 0 : i32
      %dma_wait3A_75 = tpu.memref_slice %arg6[%add3A_67, %dma_wait3A_74] : memref<20224x128xf32, #tpu.memory_space<hbm>> -> memref<632x128xf32, #tpu.memory_space<hbm>>
      %dma_wait3A_76 = arith.constant 0 : i32
      %dma_wait3A_77 = tpu.memref_slice %arg7[%mul3A_69, %dma_wait3A_76] : memref<10112x128xf32, #tpu.memory_space<vmem_shared>> -> memref<632x128xf32, #tpu.memory_space<vmem_shared>>
      tpu.wait_dma2 semaphore(%run_scoped3A : memref<!tpu.dma_semaphore, #tpu.memory_space<semaphore_mem>>) src(%dma_wait3A_77 : memref<632x128xf32, #tpu.memory_space<vmem_shared>>) dst(%dma_wait3A_75 : memref<632x128xf32, #tpu.memory_space<hbm>>)
      tpu.yield
    }) : () -> ()
    return
  }
}

module attributes {stable_mosaic.version = 14 : i64} {
  func.func @_input_body(%arg0: i32, %arg1: memref<1000x128xf32, #tpu.memory_space<vmem>>, %arg2: memref<128x128xf32, #tpu.memory_space<vmem>>, %arg3: memref<1x128xf32, #tpu.memory_space<vmem>>, %arg4: memref<1000x128xf32, #tpu.memory_space<vmem>>) attributes {dimension_semantics = [#tpu.dimension_semantics<arbitrary>], iteration_bounds = array<i64: 10>, scalar_prefetch = 0 : i64, scratch_operands = 0 : i64, tpu.core_type = #tpu.core_type<tc>, window_params = [{transform_indices = @transform_0, window_bounds = array<i64: 1000, 128>}, {pipeline_mode = #tpu.pipeline_mode<synchronous>, transform_indices = @transform_1, window_bounds = array<i64: 128, 128>}, {pipeline_mode = #tpu.pipeline_mode<synchronous>, transform_indices = @transform_2, window_bounds = array<i64: 1, 128>}, {transform_indices = @transform_3, window_bounds = array<i64: 1000, 128>}]} {
    %get3A = arith.constant 0 : index
    %get3A_0 = arith.constant 0 : index
    %get3A_1 = vector.load %arg1[%get3A, %get3A_0] : memref<1000x128xf32, #tpu.memory_space<vmem>>, vector<1000x128xf32>
    %get3A_2 = arith.constant 0 : index
    %get3A_3 = arith.constant 0 : index
    %get3A_4 = vector.load %arg2[%get3A_2, %get3A_3] : memref<128x128xf32, #tpu.memory_space<vmem>>, vector<128x128xf32>
    %transpose3A = tpu.transpose %get3A_4, [1, 0] : vector<128x128xf32> -> vector<128x128xf32>
    %dot_general3A = arith.constant dense<0.000000e+00> : vector<1000x128xf32>
    %dot_general3A_5 = tpu.matmul %get3A_1, %transpose3A, %dot_general3A {dimension_numbers = #tpu.dot_dimension_numbers<[1], [0], [0], [1], [0, 0, 1, 1], [], []>, transpose_lhs_hint = false} : vector<1000x128xf32>, vector<128x128xf32>, vector<1000x128xf32> -> vector<1000x128xf32>
    %get3A_6 = arith.constant 0 : index
    %get3A_7 = arith.constant 0 : index
    %get3A_8 = vector.load %arg3[%get3A_6, %get3A_7] : memref<1x128xf32, #tpu.memory_space<vmem>>, vector<1x128xf32>
    %add3A = vector.broadcast %get3A_8 : vector<1x128xf32> to vector<1000x128xf32>
    %add3A_9 = arith.addf %dot_general3A_5, %add3A : vector<1000x128xf32>
    %max3A = arith.constant 0.000000e+00 : f32
    %max3A_10 = vector.broadcast %max3A : f32 to vector<1000x128xf32>
    %max3A_11 = arith.maximumf %add3A_9, %max3A_10 : vector<1000x128xf32>
    %swap3A = arith.constant 0 : index
    %swap3A_12 = arith.constant 0 : index
    %swap3A_13 = vector.load %arg4[%swap3A, %swap3A_12] : memref<1000x128xf32, #tpu.memory_space<vmem>>, vector<1000x128xf32>
    tpu.vector_store %arg4[%swap3A, %swap3A_12], %max3A_11 {strides = array<i32>} : memref<1000x128xf32, #tpu.memory_space<vmem>>, vector<1000x128xf32>,
    return
  }
  func.func @transform_0(%arg0: i32) -> (i32, i32) {
    %c0_i32 = arith.constant 0 : i32
    %c0_i32_0 = arith.constant 0 : i32
    return %arg0, %c0_i32 : i32, i32
  }
  func.func @transform_1(%arg0: i32) -> (i32, i32) {
    %c0_i32 = arith.constant 0 : i32
    %c0_i32_0 = arith.constant 0 : i32
    %c0_i32_1 = arith.constant 0 : i32
    return %c0_i32, %c0_i32_0 : i32, i32
  }
  func.func @transform_2(%arg0: i32) -> (i32, i32) {
    %c0_i32 = arith.constant 0 : i32
    %c0_i32_0 = arith.constant 0 : i32
    %c0_i32_1 = arith.constant 0 : i32
    return %c0_i32, %c0_i32_0 : i32, i32
  }
  func.func @transform_3(%arg0: i32) -> (i32, i32) {
    %c0_i32 = arith.constant 0 : i32
    %c0_i32_0 = arith.constant 0 : i32
    return %arg0, %c0_i32 : i32, i32
  }
}

module attributes {stable_mosaic.version = 14 : i64} {
  func.func @_dinv_body(%arg0: i32, %arg1: memref<2x1000x128xf32, #tpu.memory_space<vmem>>, %arg2: memref<1000x128xf32, #tpu.memory_space<vmem>>) attributes {dimension_semantics = [#tpu.dimension_semantics<arbitrary>], iteration_bounds = array<i64: 10>, scalar_prefetch = 0 : i64, scratch_operands = 0 : i64, tpu.core_type = #tpu.core_type<tc>, window_params = [{transform_indices = @transform_0, window_bounds = array<i64: 2, 1000, 128>}, {transform_indices = @transform_1, window_bounds = array<i64: 1000, 128>}]} {
    %get3A = arith.constant 0 : index
    %get3A_0 = arith.constant 0 : index
    %get3A_1 = arith.constant 0 : index
    %get3A_2 = vector.load %arg1[%get3A, %get3A_0, %get3A_1] : memref<2x1000x128xf32, #tpu.memory_space<vmem>>, vector<1x1000x128xf32>
    %get3A_3 = vector.shape_cast %get3A_2 : vector<1x1000x128xf32> to vector<1000x128xf32>
    %get3A_4 = arith.constant 1 : index
    %get3A_5 = arith.constant 0 : index
    %get3A_6 = arith.constant 0 : index
    %get3A_7 = vector.load %arg1[%get3A_4, %get3A_5, %get3A_6] : memref<2x1000x128xf32, #tpu.memory_space<vmem>>, vector<1x1000x128xf32>
    %get3A_8 = vector.shape_cast %get3A_7 : vector<1x1000x128xf32> to vector<1000x128xf32>
    %add3A = arith.addf %get3A_3, %get3A_8 : vector<1000x128xf32>
    %max3A = arith.constant 1.000000e+00 : f32
    %max3A_9 = vector.broadcast %max3A : f32 to vector<1000x128xf32>
    %max3A_10 = arith.maximumf %add3A, %max3A_9 : vector<1000x128xf32>
    %swap3A = arith.constant 0 : index
    %swap3A_11 = arith.constant 0 : index
    %swap3A_12 = vector.load %arg2[%swap3A, %swap3A_11] : memref<1000x128xf32, #tpu.memory_space<vmem>>, vector<1000x128xf32>
    tpu.vector_store %arg2[%swap3A, %swap3A_11], %max3A_10 {strides = array<i32>} : memref<1000x128xf32, #tpu.memory_space<vmem>>, vector<1000x128xf32>,
    return
  }
  func.func @transform_0(%arg0: i32) -> (i32, i32, i32) {
    %c0_i32 = arith.constant 0 : i32
    %c0_i32_0 = arith.constant 0 : i32
    %c0_i32_1 = arith.constant 0 : i32
    return %c0_i32, %arg0, %c0_i32_0 : i32, i32, i32
  }
  func.func @transform_1(%arg0: i32) -> (i32, i32) {
    %c0_i32 = arith.constant 0 : i32
    %c0_i32_0 = arith.constant 0 : i32
    return %arg0, %c0_i32 : i32, i32
  }
}

module attributes {stable_mosaic.version = 14 : i64} {
  func.func @_combine_body(%arg0: i32, %arg1: memref<1000x128xf32, #tpu.memory_space<vmem>>, %arg2: memref<2x1000x128xf32, #tpu.memory_space<vmem>>, %arg3: memref<1000x128xf32, #tpu.memory_space<vmem>>, %arg4: memref<1000x128xf32, #tpu.memory_space<vmem>>) attributes {dimension_semantics = [#tpu.dimension_semantics<arbitrary>], iteration_bounds = array<i64: 10>, scalar_prefetch = 0 : i64, scratch_operands = 0 : i64, tpu.core_type = #tpu.core_type<tc>, window_params = [{transform_indices = @transform_0, window_bounds = array<i64: 1000, 128>}, {transform_indices = @transform_1, window_bounds = array<i64: 2, 1000, 128>}, {transform_indices = @transform_2, window_bounds = array<i64: 1000, 128>}, {transform_indices = @transform_3, window_bounds = array<i64: 1000, 128>}]} {
    %get3A = arith.constant 0 : index
    %get3A_0 = arith.constant 0 : index
    %get3A_1 = arith.constant 0 : index
    %get3A_2 = vector.load %arg2[%get3A, %get3A_0, %get3A_1] : memref<2x1000x128xf32, #tpu.memory_space<vmem>>, vector<1x1000x128xf32>
    %get3A_3 = vector.shape_cast %get3A_2 : vector<1x1000x128xf32> to vector<1000x128xf32>
    %get3A_4 = arith.constant 1 : index
    %get3A_5 = arith.constant 0 : index
    %get3A_6 = arith.constant 0 : index
    %get3A_7 = vector.load %arg2[%get3A_4, %get3A_5, %get3A_6] : memref<2x1000x128xf32, #tpu.memory_space<vmem>>, vector<1x1000x128xf32>
    %get3A_8 = vector.shape_cast %get3A_7 : vector<1x1000x128xf32> to vector<1000x128xf32>
    %add3A = arith.addf %get3A_3, %get3A_8 : vector<1000x128xf32>
    %get3A_9 = arith.constant 0 : index
    %get3A_10 = arith.constant 0 : index
    %get3A_11 = vector.load %arg1[%get3A_9, %get3A_10] : memref<1000x128xf32, #tpu.memory_space<vmem>>, vector<1000x128xf32>
    %get3A_12 = arith.constant 0 : index
    %get3A_13 = arith.constant 0 : index
    %get3A_14 = vector.load %arg3[%get3A_12, %get3A_13] : memref<1000x128xf32, #tpu.memory_space<vmem>>, vector<1000x128xf32>
    %div3A = arith.divf %add3A, %get3A_14 : vector<1000x128xf32>
    %add3A_15 = arith.addf %get3A_11, %div3A : vector<1000x128xf32>
    %mul3A = arith.constant 5.000000e-01 : f32
    %mul3A_16 = vector.broadcast %mul3A : f32 to vector<1000x128xf32>
    %mul3A_17 = arith.mulf %add3A_15, %mul3A_16 : vector<1000x128xf32>
    %swap3A = arith.constant 0 : index
    %swap3A_18 = arith.constant 0 : index
    %swap3A_19 = vector.load %arg4[%swap3A, %swap3A_18] : memref<1000x128xf32, #tpu.memory_space<vmem>>, vector<1000x128xf32>
    tpu.vector_store %arg4[%swap3A, %swap3A_18], %mul3A_17 {strides = array<i32>} : memref<1000x128xf32, #tpu.memory_space<vmem>>, vector<1000x128xf32>,
    return
  }
  func.func @transform_0(%arg0: i32) -> (i32, i32) {
    %c0_i32 = arith.constant 0 : i32
    %c0_i32_0 = arith.constant 0 : i32
    return %arg0, %c0_i32 : i32, i32
  }
  func.func @transform_1(%arg0: i32) -> (i32, i32, i32) {
    %c0_i32 = arith.constant 0 : i32
    %c0_i32_0 = arith.constant 0 : i32
    %c0_i32_1 = arith.constant 0 : i32
    return %c0_i32, %arg0, %c0_i32_0 : i32, i32, i32
  }
  func.func @transform_2(%arg0: i32) -> (i32, i32) {
    %c0_i32 = arith.constant 0 : i32
    %c0_i32_0 = arith.constant 0 : i32
    return %arg0, %c0_i32 : i32, i32
  }
  func.func @transform_3(%arg0: i32) -> (i32, i32) {
    %c0_i32 = arith.constant 0 : i32
    %c0_i32_0 = arith.constant 0 : i32
    return %arg0, %c0_i32 : i32, i32
  }
}

module attributes {stable_mosaic.version = 14 : i64} {
  func.func @_readout_body(%arg0: memref<10000x128xf32, #tpu.memory_space<vmem>>, %arg1: memref<1x10000xi32, #tpu.memory_space<vmem>>, %arg2: memref<512x256xf32, #tpu.memory_space<vmem>>, %arg3: memref<512x128xf32, #tpu.memory_space<vmem>>, %arg4: memref<1x512xf32, #tpu.memory_space<vmem>>, %arg5: memref<1x512xf32, #tpu.memory_space<vmem>>, %arg6: memref<128x256xf32, #tpu.memory_space<vmem>>, %arg7: memref<64x128xf32, #tpu.memory_space<vmem>>) attributes {dimension_semantics = [], scalar_prefetch = 0 : i64, scratch_operands = 0 : i64, tpu.core_type = #tpu.core_type<tc>} {
    %get3A = arith.constant 0 : index
    %get3A_0 = arith.constant 0 : index
    %get3A_1 = vector.load %arg0[%get3A, %get3A_0] : memref<10000x128xf32, #tpu.memory_space<vmem>>, vector<10000x128xf32>
    %get3A_2 = arith.constant 0 : index
    %get3A_3 = arith.constant 0 : index
    %get3A_4 = vector.load %arg1[%get3A_2, %get3A_3] : memref<1x10000xi32, #tpu.memory_space<vmem>>, vector<1x10000xi32>
    %iota3A = tpu.iota {dimensions = array<i32: 0>} : vector<64x10000xi32>
    %eq3A = vector.broadcast %get3A_4 : vector<1x10000xi32> to vector<64x10000xi32>
    %eq3A_5 = arith.cmpi eq, %iota3A, %eq3A : vector<64x10000xi32>
    %jit3A = arith.constant 1.000000e+00 : f32
    %jit3A_6 = arith.constant 0.000000e+00 : f32
    %broadcast_in_dim3A = vector.broadcast %jit3A : f32 to vector<64x10000xf32>
    %broadcast_in_dim3A_7 = vector.broadcast %jit3A_6 : f32 to vector<64x10000xf32>
    %select_n3A = arith.select %eq3A_5, %broadcast_in_dim3A, %broadcast_in_dim3A_7 : vector<64x10000xi1>, vector<64x10000xf32>
    %broadcast_in_dim3A_8 = arith.constant 0.000000e+00 : f32
    %broadcast_in_dim3A_9 = vector.broadcast %broadcast_in_dim3A_8 : f32 to vector<64x256xf32>
    %broadcast_in_dim3A_10 = arith.constant 0.000000e+00 : f32
    %broadcast_in_dim3A_11 = vector.broadcast %broadcast_in_dim3A_10 : f32 to vector<64x128xf32>
    %broadcast_in_dim3A_12 = arith.constant 0.000000e+00 : f32
    %broadcast_in_dim3A_13 = vector.broadcast %broadcast_in_dim3A_12 : f32 to vector<64x128xf32>
    %get3A_14 = arith.constant 0 : index
    %get3A_15 = arith.constant 0 : index
    %get3A_16 = vector.load %arg2[%get3A_14, %get3A_15] : memref<512x256xf32, #tpu.memory_space<vmem>>, vector<512x256xf32>
    %transpose3A = tpu.transpose %get3A_16, [1, 0] : vector<512x256xf32> -> vector<256x512xf32>
    %dot_general3A = arith.constant dense<0.000000e+00> : vector<64x512xf32>
    %dot_general3A_17 = tpu.matmul %broadcast_in_dim3A_9, %transpose3A, %dot_general3A {dimension_numbers = #tpu.dot_dimension_numbers<[1], [0], [0], [1], [0, 0, 1, 1], [], []>, transpose_lhs_hint = false} : vector<64x256xf32>, vector<256x512xf32>, vector<64x512xf32> -> vector<64x512xf32>
    %get3A_18 = arith.constant 0 : index
    %get3A_19 = arith.constant 0 : index
    %get3A_20 = vector.load %arg3[%get3A_18, %get3A_19] : memref<512x128xf32, #tpu.memory_space<vmem>>, vector<512x128xf32>
    %transpose3A_21 = tpu.transpose %get3A_20, [1, 0] : vector<512x128xf32> -> vector<128x512xf32>
    %dot_general3A_22 = arith.constant dense<0.000000e+00> : vector<64x512xf32>
    %dot_general3A_23 = tpu.matmul %broadcast_in_dim3A_11, %transpose3A_21, %dot_general3A_22 {dimension_numbers = #tpu.dot_dimension_numbers<[1], [0], [0], [1], [0, 0, 1, 1], [], []>, transpose_lhs_hint = false} : vector<64x128xf32>, vector<128x512xf32>, vector<64x512xf32> -> vector<64x512xf32>
    %add3A = arith.addf %dot_general3A_17, %dot_general3A_23 : vector<64x512xf32>
    %get3A_24 = arith.constant 0 : index
    %get3A_25 = arith.constant 0 : index
    %get3A_26 = vector.load %arg4[%get3A_24, %get3A_25] : memref<1x512xf32, #tpu.memory_space<vmem>>, vector<1x512xf32>
    %add3A_27 = vector.broadcast %get3A_26 : vector<1x512xf32> to vector<64x512xf32>
    %add3A_28 = arith.addf %add3A, %add3A_27 : vector<64x512xf32>
    %get3A_29 = arith.constant 0 : index
    %get3A_30 = arith.constant 0 : index
    %get3A_31 = vector.load %arg5[%get3A_29, %get3A_30] : memref<1x512xf32, #tpu.memory_space<vmem>>, vector<1x512xf32>
    %add3A_32 = vector.broadcast %get3A_31 : vector<1x512xf32> to vector<64x512xf32>
    %add3A_33 = arith.addf %add3A_28, %add3A_32 : vector<64x512xf32>
    %slice3A = vector.extract_strided_slice %add3A_33 {offsets = [0, 0], sizes = [64, 128], strides = [1, 1]} : vector<64x512xf32> to vector<64x128xf32>
    %logistic3A = arith.negf %slice3A : vector<64x128xf32>
    %logistic3A_34 = math.exp %logistic3A : vector<64x128xf32>
    %logistic3A_35 = arith.constant 1.000000e+00 : f32
    %logistic3A_36 = vector.broadcast %logistic3A_35 : f32 to vector<64x128xf32>
    %logistic3A_37 = arith.addf %logistic3A_36, %logistic3A_34 : vector<64x128xf32>
    %logistic3A_38 = arith.divf %logistic3A_36, %logistic3A_37 : vector<64x128xf32>
    %slice3A_39 = vector.extract_strided_slice %add3A_33 {offsets = [0, 128], sizes = [64, 128], strides = [1, 1]} : vector<64x512xf32> to vector<64x128xf32>
    %logistic3A_40 = arith.negf %slice3A_39 : vector<64x128xf32>
    %logistic3A_41 = math.exp %logistic3A_40 : vector<64x128xf32>
    %logistic3A_42 = arith.constant 1.000000e+00 : f32
    %logistic3A_43 = vector.broadcast %logistic3A_42 : f32 to vector<64x128xf32>
    %logistic3A_44 = arith.addf %logistic3A_43, %logistic3A_41 : vector<64x128xf32>
    %logistic3A_45 = arith.divf %logistic3A_43, %logistic3A_44 : vector<64x128xf32>
    %slice3A_46 = vector.extract_strided_slice %add3A_33 {offsets = [0, 256], sizes = [64, 128], strides = [1, 1]} : vector<64x512xf32> to vector<64x128xf32>
    %tanh3A = math.tanh %slice3A_46 : vector<64x128xf32>
    %slice3A_47 = vector.extract_strided_slice %add3A_33 {offsets = [0, 384], sizes = [64, 128], strides = [1, 1]} : vector<64x512xf32> to vector<64x128xf32>
    %logistic3A_48 = arith.negf %slice3A_47 : vector<64x128xf32>
    %logistic3A_49 = math.exp %logistic3A_48 : vector<64x128xf32>
    %logistic3A_50 = arith.constant 1.000000e+00 : f32
    %logistic3A_51 = vector.broadcast %logistic3A_50 : f32 to vector<64x128xf32>
    %logistic3A_52 = arith.addf %logistic3A_51, %logistic3A_49 : vector<64x128xf32>
    %logistic3A_53 = arith.divf %logistic3A_51, %logistic3A_52 : vector<64x128xf32>
    %mul3A = arith.mulf %logistic3A_45, %broadcast_in_dim3A_13 : vector<64x128xf32>
    %mul3A_54 = arith.mulf %logistic3A_38, %tanh3A : vector<64x128xf32>
    %add3A_55 = arith.addf %mul3A, %mul3A_54 : vector<64x128xf32>
    %tanh3A_56 = math.tanh %add3A_55 : vector<64x128xf32>
    %mul3A_57 = arith.mulf %logistic3A_53, %tanh3A_56 : vector<64x128xf32>
    %dot_general3A_58 = arith.constant dense<0.000000e+00> : vector<64x10000xf32>
    %dot_general3A_59 = tpu.matmul %mul3A_57, %get3A_1, %dot_general3A_58 {dimension_numbers = #tpu.dot_dimension_numbers<[1], [1], [0], [0], [0, 0, 1, 0], [], []>, transpose_lhs_hint = false} : vector<64x128xf32>, vector<10000x128xf32>, vector<64x10000xf32> -> vector<64x10000xf32>
    %gt3A = arith.constant 0.000000e+00 : f32
    %gt3A_60 = vector.broadcast %gt3A : f32 to vector<64x10000xf32>
    %gt3A_61 = arith.cmpf ogt, %select_n3A, %gt3A_60 : vector<64x10000xf32>
    %jit3A_62 = arith.constant 0xFF800000 : f32
    %broadcast_in_dim3A_63 = vector.broadcast %jit3A_62 : f32 to vector<64x10000xf32>
    %select_n3A_64 = arith.select %gt3A_61, %dot_general3A_59, %broadcast_in_dim3A_63 : vector<64x10000xi1>, vector<64x10000xf32>
    %reduce_max3A = arith.constant dense<0xFF800000> : vector<64xf32>
    %reduce_max3A_65 = vector.multi_reduction <maximumf>, %select_n3A_64, %reduce_max3A [1] : vector<64x10000xf32> to vector<64xf32>
    %broadcast_in_dim3A_66 = vector.shape_cast %reduce_max3A_65 : vector<64xf32> to vector<64x1xf32>
    %is_finite3A = tpu.weird %broadcast_in_dim3A_66 : vector<64x1xf32> -> vector<64x1xi1>
    %is_finite3A_67 = arith.constant dense<true> : vector<64x1xi1>
    %is_finite3A_68 = arith.xori %is_finite3A, %is_finite3A_67 : vector<64x1xi1>
    %jit3A_69 = arith.constant 0.000000e+00 : f32
    %broadcast_in_dim3A_70 = vector.broadcast %jit3A_69 : f32 to vector<64x1xf32>
    %select_n3A_71 = arith.select %is_finite3A_68, %broadcast_in_dim3A_66, %broadcast_in_dim3A_70 : vector<64x1xi1>, vector<64x1xf32>
    %gt3A_72 = arith.constant 0.000000e+00 : f32
    %gt3A_73 = vector.broadcast %gt3A_72 : f32 to vector<64x10000xf32>
    %gt3A_74 = arith.cmpf ogt, %select_n3A, %gt3A_73 : vector<64x10000xf32>
    %sub3A = vector.broadcast %select_n3A_71 : vector<64x1xf32> to vector<64x10000xf32>
    %sub3A_75 = arith.subf %dot_general3A_59, %sub3A : vector<64x10000xf32>
    %jit3A_76 = arith.constant 0.000000e+00 : f32
    %broadcast_in_dim3A_77 = vector.broadcast %jit3A_76 : f32 to vector<64x10000xf32>
    %select_n3A_78 = arith.select %gt3A_74, %sub3A_75, %broadcast_in_dim3A_77 : vector<64x10000xi1>, vector<64x10000xf32>
    %exp3A = math.exp %select_n3A_78 : vector<64x10000xf32>
    %mul3A_79 = arith.mulf %select_n3A, %exp3A : vector<64x10000xf32>
    %reduce_sum3A = arith.constant dense<0.000000e+00> : vector<64xf32>
    %reduce_sum3A_80 = vector.multi_reduction <add>, %mul3A_79, %reduce_sum3A [1] : vector<64x10000xf32> to vector<64xf32>
    %broadcast_in_dim3A_81 = vector.shape_cast %reduce_sum3A_80 : vector<64xf32> to vector<64x1xf32>
    %max3A = arith.constant 1.000000e-16 : f32
    %max3A_82 = vector.broadcast %max3A : f32 to vector<64x1xf32>
    %max3A_83 = arith.maximumf %broadcast_in_dim3A_81, %max3A_82 : vector<64x1xf32>
    %div3A = vector.broadcast %max3A_83 : vector<64x1xf32> to vector<64x10000xf32>
    %div3A_84 = arith.divf %mul3A_79, %div3A : vector<64x10000xf32>
    %dot_general3A_85 = arith.constant dense<0.000000e+00> : vector<64x128xf32>
    %dot_general3A_86 = tpu.matmul %div3A_84, %get3A_1, %dot_general3A_85 {dimension_numbers = #tpu.dot_dimension_numbers<[1], [0], [0], [1], [0, 0, 1, 1], [], []>, transpose_lhs_hint = false} : vector<64x10000xf32>, vector<10000x128xf32>, vector<64x128xf32> -> vector<64x128xf32>
    %concatenate3A = tpu.concatenate %mul3A_57, %dot_general3A_86 in 1 : vector<64x128xf32>, vector<64x128xf32> -> vector<64x256xf32>
    %get3A_87 = arith.constant 0 : index
    %get3A_88 = arith.constant 0 : index
    %get3A_89 = vector.load %arg2[%get3A_87, %get3A_88] : memref<512x256xf32, #tpu.memory_space<vmem>>, vector<512x256xf32>
    %transpose3A_90 = tpu.transpose %get3A_89, [1, 0] : vector<512x256xf32> -> vector<256x512xf32>
    %dot_general3A_91 = arith.constant dense<0.000000e+00> : vector<64x512xf32>
    %dot_general3A_92 = tpu.matmul %concatenate3A, %transpose3A_90, %dot_general3A_91 {dimension_numbers = #tpu.dot_dimension_numbers<[1], [0], [0], [1], [0, 0, 1, 1], [], []>, transpose_lhs_hint = false} : vector<64x256xf32>, vector<256x512xf32>, vector<64x512xf32> -> vector<64x512xf32>
    %get3A_93 = arith.constant 0 : index
    %get3A_94 = arith.constant 0 : index
    %get3A_95 = vector.load %arg3[%get3A_93, %get3A_94] : memref<512x128xf32, #tpu.memory_space<vmem>>, vector<512x128xf32>
    %transpose3A_96 = tpu.transpose %get3A_95, [1, 0] : vector<512x128xf32> -> vector<128x512xf32>
    %dot_general3A_97 = arith.constant dense<0.000000e+00> : vector<64x512xf32>
    %dot_general3A_98 = tpu.matmul %mul3A_57, %transpose3A_96, %dot_general3A_97 {dimension_numbers = #tpu.dot_dimension_numbers<[1], [0], [0], [1], [0, 0, 1, 1], [], []>, transpose_lhs_hint = false} : vector<64x128xf32>, vector<128x512xf32>, vector<64x512xf32> -> vector<64x512xf32>
    %add3A_99 = arith.addf %dot_general3A_92, %dot_general3A_98 : vector<64x512xf32>
    %get3A_100 = arith.constant 0 : index
    %get3A_101 = arith.constant 0 : index
    %get3A_102 = vector.load %arg4[%get3A_100, %get3A_101] : memref<1x512xf32, #tpu.memory_space<vmem>>, vector<1x512xf32>
    %add3A_103 = vector.broadcast %get3A_102 : vector<1x512xf32> to vector<64x512xf32>
    %add3A_104 = arith.addf %add3A_99, %add3A_103 : vector<64x512xf32>
    %get3A_105 = arith.constant 0 : index
    %get3A_106 = arith.constant 0 : index
    %get3A_107 = vector.load %arg5[%get3A_105, %get3A_106] : memref<1x512xf32, #tpu.memory_space<vmem>>, vector<1x512xf32>
    %add3A_108 = vector.broadcast %get3A_107 : vector<1x512xf32> to vector<64x512xf32>
    %add3A_109 = arith.addf %add3A_104, %add3A_108 : vector<64x512xf32>
    %slice3A_110 = vector.extract_strided_slice %add3A_109 {offsets = [0, 0], sizes = [64, 128], strides = [1, 1]} : vector<64x512xf32> to vector<64x128xf32>
    %logistic3A_111 = arith.negf %slice3A_110 : vector<64x128xf32>
    %logistic3A_112 = math.exp %logistic3A_111 : vector<64x128xf32>
    %logistic3A_113 = arith.constant 1.000000e+00 : f32
    %logistic3A_114 = vector.broadcast %logistic3A_113 : f32 to vector<64x128xf32>
    %logistic3A_115 = arith.addf %logistic3A_114, %logistic3A_112 : vector<64x128xf32>
    %logistic3A_116 = arith.divf %logistic3A_114, %logistic3A_115 : vector<64x128xf32>
    %slice3A_117 = vector.extract_strided_slice %add3A_109 {offsets = [0, 128], sizes = [64, 128], strides = [1, 1]} : vector<64x512xf32> to vector<64x128xf32>
    %logistic3A_118 = arith.negf %slice3A_117 : vector<64x128xf32>
    %logistic3A_119 = math.exp %logistic3A_118 : vector<64x128xf32>
    %logistic3A_120 = arith.constant 1.000000e+00 : f32
    %logistic3A_121 = vector.broadcast %logistic3A_120 : f32 to vector<64x128xf32>
    %logistic3A_122 = arith.addf %logistic3A_121, %logistic3A_119 : vector<64x128xf32>
    %logistic3A_123 = arith.divf %logistic3A_121, %logistic3A_122 : vector<64x128xf32>
    %slice3A_124 = vector.extract_strided_slice %add3A_109 {offsets = [0, 256], sizes = [64, 128], strides = [1, 1]} : vector<64x512xf32> to vector<64x128xf32>
    %tanh3A_125 = math.tanh %slice3A_124 : vector<64x128xf32>
    %slice3A_126 = vector.extract_strided_slice %add3A_109 {offsets = [0, 384], sizes = [64, 128], strides = [1, 1]} : vector<64x512xf32> to vector<64x128xf32>
    %logistic3A_127 = arith.negf %slice3A_126 : vector<64x128xf32>
    %logistic3A_128 = math.exp %logistic3A_127 : vector<64x128xf32>
    %logistic3A_129 = arith.constant 1.000000e+00 : f32
    %logistic3A_130 = vector.broadcast %logistic3A_129 : f32 to vector<64x128xf32>
    %logistic3A_131 = arith.addf %logistic3A_130, %logistic3A_128 : vector<64x128xf32>
    %logistic3A_132 = arith.divf %logistic3A_130, %logistic3A_131 : vector<64x128xf32>
    %mul3A_133 = arith.mulf %logistic3A_123, %add3A_55 : vector<64x128xf32>
    %mul3A_134 = arith.mulf %logistic3A_116, %tanh3A_125 : vector<64x128xf32>
    %add3A_135 = arith.addf %mul3A_133, %mul3A_134 : vector<64x128xf32>
    %tanh3A_136 = math.tanh %add3A_135 : vector<64x128xf32>
    %mul3A_137 = arith.mulf %logistic3A_132, %tanh3A_136 : vector<64x128xf32>
    %dot_general3A_138 = arith.constant dense<0.000000e+00> : vector<64x10000xf32>
    %dot_general3A_139 = tpu.matmul %mul3A_137, %get3A_1, %dot_general3A_138 {dimension_numbers = #tpu.dot_dimension_numbers<[1], [1], [0], [0], [0, 0, 1, 0], [], []>, transpose_lhs_hint = false} : vector<64x128xf32>, vector<10000x128xf32>, vector<64x10000xf32> -> vector<64x10000xf32>
    %gt3A_140 = arith.constant 0.000000e+00 : f32
    %gt3A_141 = vector.broadcast %gt3A_140 : f32 to vector<64x10000xf32>
    %gt3A_142 = arith.cmpf ogt, %select_n3A, %gt3A_141 : vector<64x10000xf32>
    %jit3A_143 = arith.constant 0xFF800000 : f32
    %broadcast_in_dim3A_144 = vector.broadcast %jit3A_143 : f32 to vector<64x10000xf32>
    %select_n3A_145 = arith.select %gt3A_142, %dot_general3A_139, %broadcast_in_dim3A_144 : vector<64x10000xi1>, vector<64x10000xf32>
    %reduce_max3A_146 = arith.constant dense<0xFF800000> : vector<64xf32>
    %reduce_max3A_147 = vector.multi_reduction <maximumf>, %select_n3A_145, %reduce_max3A_146 [1] : vector<64x10000xf32> to vector<64xf32>
    %broadcast_in_dim3A_148 = vector.shape_cast %reduce_max3A_147 : vector<64xf32> to vector<64x1xf32>
    %is_finite3A_149 = tpu.weird %broadcast_in_dim3A_148 : vector<64x1xf32> -> vector<64x1xi1>
    %is_finite3A_150 = arith.constant dense<true> : vector<64x1xi1>
    %is_finite3A_151 = arith.xori %is_finite3A_149, %is_finite3A_150 : vector<64x1xi1>
    %jit3A_152 = arith.constant 0.000000e+00 : f32
    %broadcast_in_dim3A_153 = vector.broadcast %jit3A_152 : f32 to vector<64x1xf32>
    %select_n3A_154 = arith.select %is_finite3A_151, %broadcast_in_dim3A_148, %broadcast_in_dim3A_153 : vector<64x1xi1>, vector<64x1xf32>
    %gt3A_155 = arith.constant 0.000000e+00 : f32
    %gt3A_156 = vector.broadcast %gt3A_155 : f32 to vector<64x10000xf32>
    %gt3A_157 = arith.cmpf ogt, %select_n3A, %gt3A_156 : vector<64x10000xf32>
    %sub3A_158 = vector.broadcast %select_n3A_154 : vector<64x1xf32> to vector<64x10000xf32>
    %sub3A_159 = arith.subf %dot_general3A_139, %sub3A_158 : vector<64x10000xf32>
    %jit3A_160 = arith.constant 0.000000e+00 : f32
    %broadcast_in_dim3A_161 = vector.broadcast %jit3A_160 : f32 to vector<64x10000xf32>
    %select_n3A_162 = arith.select %gt3A_157, %sub3A_159, %broadcast_in_dim3A_161 : vector<64x10000xi1>, vector<64x10000xf32>
    %exp3A_163 = math.exp %select_n3A_162 : vector<64x10000xf32>
    %mul3A_164 = arith.mulf %select_n3A, %exp3A_163 : vector<64x10000xf32>
    %reduce_sum3A_165 = arith.constant dense<0.000000e+00> : vector<64xf32>
    %reduce_sum3A_166 = vector.multi_reduction <add>, %mul3A_164, %reduce_sum3A_165 [1] : vector<64x10000xf32> to vector<64xf32>
    %broadcast_in_dim3A_167 = vector.shape_cast %reduce_sum3A_166 : vector<64xf32> to vector<64x1xf32>
    %max3A_168 = arith.constant 1.000000e-16 : f32
    %max3A_169 = vector.broadcast %max3A_168 : f32 to vector<64x1xf32>
    %max3A_170 = arith.maximumf %broadcast_in_dim3A_167, %max3A_169 : vector<64x1xf32>
    %div3A_171 = vector.broadcast %max3A_170 : vector<64x1xf32> to vector<64x10000xf32>
    %div3A_172 = arith.divf %mul3A_164, %div3A_171 : vector<64x10000xf32>
    %dot_general3A_173 = arith.constant dense<0.000000e+00> : vector<64x128xf32>
    %dot_general3A_174 = tpu.matmul %div3A_172, %get3A_1, %dot_general3A_173 {dimension_numbers = #tpu.dot_dimension_numbers<[1], [0], [0], [1], [0, 0, 1, 1], [], []>, transpose_lhs_hint = false} : vector<64x10000xf32>, vector<10000x128xf32>, vector<64x128xf32> -> vector<64x128xf32>
    %concatenate3A_175 = tpu.concatenate %mul3A_137, %dot_general3A_174 in 1 : vector<64x128xf32>, vector<64x128xf32> -> vector<64x256xf32>
    %get3A_176 = arith.constant 0 : index
    %get3A_177 = arith.constant 0 : index
    %get3A_178 = vector.load %arg2[%get3A_176, %get3A_177] : memref<512x256xf32, #tpu.memory_space<vmem>>, vector<512x256xf32>
    %transpose3A_179 = tpu.transpose %get3A_178, [1, 0] : vector<512x256xf32> -> vector<256x512xf32>
    %dot_general3A_180 = arith.constant dense<0.000000e+00> : vector<64x512xf32>
    %dot_general3A_181 = tpu.matmul %concatenate3A_175, %transpose3A_179, %dot_general3A_180 {dimension_numbers = #tpu.dot_dimension_numbers<[1], [0], [0], [1], [0, 0, 1, 1], [], []>, transpose_lhs_hint = false} : vector<64x256xf32>, vector<256x512xf32>, vector<64x512xf32> -> vector<64x512xf32>
    %get3A_182 = arith.constant 0 : index
    %get3A_183 = arith.constant 0 : index
    %get3A_184 = vector.load %arg3[%get3A_182, %get3A_183] : memref<512x128xf32, #tpu.memory_space<vmem>>, vector<512x128xf32>
    %transpose3A_185 = tpu.transpose %get3A_184, [1, 0] : vector<512x128xf32> -> vector<128x512xf32>
    %dot_general3A_186 = arith.constant dense<0.000000e+00> : vector<64x512xf32>
    %dot_general3A_187 = tpu.matmul %mul3A_137, %transpose3A_185, %dot_general3A_186 {dimension_numbers = #tpu.dot_dimension_numbers<[1], [0], [0], [1], [0, 0, 1, 1], [], []>, transpose_lhs_hint = false} : vector<64x128xf32>, vector<128x512xf32>, vector<64x512xf32> -> vector<64x512xf32>
    %add3A_188 = arith.addf %dot_general3A_181, %dot_general3A_187 : vector<64x512xf32>
    %get3A_189 = arith.constant 0 : index
    %get3A_190 = arith.constant 0 : index
    %get3A_191 = vector.load %arg4[%get3A_189, %get3A_190] : memref<1x512xf32, #tpu.memory_space<vmem>>, vector<1x512xf32>
    %add3A_192 = vector.broadcast %get3A_191 : vector<1x512xf32> to vector<64x512xf32>
    %add3A_193 = arith.addf %add3A_188, %add3A_192 : vector<64x512xf32>
    %get3A_194 = arith.constant 0 : index
    %get3A_195 = arith.constant 0 : index
    %get3A_196 = vector.load %arg5[%get3A_194, %get3A_195] : memref<1x512xf32, #tpu.memory_space<vmem>>, vector<1x512xf32>
    %add3A_197 = vector.broadcast %get3A_196 : vector<1x512xf32> to vector<64x512xf32>
    %add3A_198 = arith.addf %add3A_193, %add3A_197 : vector<64x512xf32>
    %slice3A_199 = vector.extract_strided_slice %add3A_198 {offsets = [0, 0], sizes = [64, 128], strides = [1, 1]} : vector<64x512xf32> to vector<64x128xf32>
    %logistic3A_200 = arith.negf %slice3A_199 : vector<64x128xf32>
    %logistic3A_201 = math.exp %logistic3A_200 : vector<64x128xf32>
    %logistic3A_202 = arith.constant 1.000000e+00 : f32
    %logistic3A_203 = vector.broadcast %logistic3A_202 : f32 to vector<64x128xf32>
    %logistic3A_204 = arith.addf %logistic3A_203, %logistic3A_201 : vector<64x128xf32>
    %logistic3A_205 = arith.divf %logistic3A_203, %logistic3A_204 : vector<64x128xf32>
    %slice3A_206 = vector.extract_strided_slice %add3A_198 {offsets = [0, 128], sizes = [64, 128], strides = [1, 1]} : vector<64x512xf32> to vector<64x128xf32>
    %logistic3A_207 = arith.negf %slice3A_206 : vector<64x128xf32>
    %logistic3A_208 = math.exp %logistic3A_207 : vector<64x128xf32>
    %logistic3A_209 = arith.constant 1.000000e+00 : f32
    %logistic3A_210 = vector.broadcast %logistic3A_209 : f32 to vector<64x128xf32>
    %logistic3A_211 = arith.addf %logistic3A_210, %logistic3A_208 : vector<64x128xf32>
    %logistic3A_212 = arith.divf %logistic3A_210, %logistic3A_211 : vector<64x128xf32>
    %slice3A_213 = vector.extract_strided_slice %add3A_198 {offsets = [0, 256], sizes = [64, 128], strides = [1, 1]} : vector<64x512xf32> to vector<64x128xf32>
    %tanh3A_214 = math.tanh %slice3A_213 : vector<64x128xf32>
    %slice3A_215 = vector.extract_strided_slice %add3A_198 {offsets = [0, 384], sizes = [64, 128], strides = [1, 1]} : vector<64x512xf32> to vector<64x128xf32>
    %logistic3A_216 = arith.negf %slice3A_215 : vector<64x128xf32>
    %logistic3A_217 = math.exp %logistic3A_216 : vector<64x128xf32>
    %logistic3A_218 = arith.constant 1.000000e+00 : f32
    %logistic3A_219 = vector.broadcast %logistic3A_218 : f32 to vector<64x128xf32>
    %logistic3A_220 = arith.addf %logistic3A_219, %logistic3A_217 : vector<64x128xf32>
    %logistic3A_221 = arith.divf %logistic3A_219, %logistic3A_220 : vector<64x128xf32>
    %mul3A_222 = arith.mulf %logistic3A_212, %add3A_135 : vector<64x128xf32>
    %mul3A_223 = arith.mulf %logistic3A_205, %tanh3A_214 : vector<64x128xf32>
    %add3A_224 = arith.addf %mul3A_222, %mul3A_223 : vector<64x128xf32>
    %tanh3A_225 = math.tanh %add3A_224 : vector<64x128xf32>
    %mul3A_226 = arith.mulf %logistic3A_221, %tanh3A_225 : vector<64x128xf32>
    %dot_general3A_227 = arith.constant dense<0.000000e+00> : vector<64x10000xf32>
    %dot_general3A_228 = tpu.matmul %mul3A_226, %get3A_1, %dot_general3A_227 {dimension_numbers = #tpu.dot_dimension_numbers<[1], [1], [0], [0], [0, 0, 1, 0], [], []>, transpose_lhs_hint = false} : vector<64x128xf32>, vector<10000x128xf32>, vector<64x10000xf32> -> vector<64x10000xf32>
    %gt3A_229 = arith.constant 0.000000e+00 : f32
    %gt3A_230 = vector.broadcast %gt3A_229 : f32 to vector<64x10000xf32>
    %gt3A_231 = arith.cmpf ogt, %select_n3A, %gt3A_230 : vector<64x10000xf32>
    %jit3A_232 = arith.constant 0xFF800000 : f32
    %broadcast_in_dim3A_233 = vector.broadcast %jit3A_232 : f32 to vector<64x10000xf32>
    %select_n3A_234 = arith.select %gt3A_231, %dot_general3A_228, %broadcast_in_dim3A_233 : vector<64x10000xi1>, vector<64x10000xf32>
    %reduce_max3A_235 = arith.constant dense<0xFF800000> : vector<64xf32>
    %reduce_max3A_236 = vector.multi_reduction <maximumf>, %select_n3A_234, %reduce_max3A_235 [1] : vector<64x10000xf32> to vector<64xf32>
    %broadcast_in_dim3A_237 = vector.shape_cast %reduce_max3A_236 : vector<64xf32> to vector<64x1xf32>
    %is_finite3A_238 = tpu.weird %broadcast_in_dim3A_237 : vector<64x1xf32> -> vector<64x1xi1>
    %is_finite3A_239 = arith.constant dense<true> : vector<64x1xi1>
    %is_finite3A_240 = arith.xori %is_finite3A_238, %is_finite3A_239 : vector<64x1xi1>
    %jit3A_241 = arith.constant 0.000000e+00 : f32
    %broadcast_in_dim3A_242 = vector.broadcast %jit3A_241 : f32 to vector<64x1xf32>
    %select_n3A_243 = arith.select %is_finite3A_240, %broadcast_in_dim3A_237, %broadcast_in_dim3A_242 : vector<64x1xi1>, vector<64x1xf32>
    %gt3A_244 = arith.constant 0.000000e+00 : f32
    %gt3A_245 = vector.broadcast %gt3A_244 : f32 to vector<64x10000xf32>
    %gt3A_246 = arith.cmpf ogt, %select_n3A, %gt3A_245 : vector<64x10000xf32>
    %sub3A_247 = vector.broadcast %select_n3A_243 : vector<64x1xf32> to vector<64x10000xf32>
    %sub3A_248 = arith.subf %dot_general3A_228, %sub3A_247 : vector<64x10000xf32>
    %jit3A_249 = arith.constant 0.000000e+00 : f32
    %broadcast_in_dim3A_250 = vector.broadcast %jit3A_249 : f32 to vector<64x10000xf32>
    %select_n3A_251 = arith.select %gt3A_246, %sub3A_248, %broadcast_in_dim3A_250 : vector<64x10000xi1>, vector<64x10000xf32>
    %exp3A_252 = math.exp %select_n3A_251 : vector<64x10000xf32>
    %mul3A_253 = arith.mulf %select_n3A, %exp3A_252 : vector<64x10000xf32>
    %reduce_sum3A_254 = arith.constant dense<0.000000e+00> : vector<64xf32>
    %reduce_sum3A_255 = vector.multi_reduction <add>, %mul3A_253, %reduce_sum3A_254 [1] : vector<64x10000xf32> to vector<64xf32>
    %broadcast_in_dim3A_256 = vector.shape_cast %reduce_sum3A_255 : vector<64xf32> to vector<64x1xf32>
    %max3A_257 = arith.constant 1.000000e-16 : f32
    %max3A_258 = vector.broadcast %max3A_257 : f32 to vector<64x1xf32>
    %max3A_259 = arith.maximumf %broadcast_in_dim3A_256, %max3A_258 : vector<64x1xf32>
    %div3A_260 = vector.broadcast %max3A_259 : vector<64x1xf32> to vector<64x10000xf32>
    %div3A_261 = arith.divf %mul3A_253, %div3A_260 : vector<64x10000xf32>
    %dot_general3A_262 = arith.constant dense<0.000000e+00> : vector<64x128xf32>
    %dot_general3A_263 = tpu.matmul %div3A_261, %get3A_1, %dot_general3A_262 {dimension_numbers = #tpu.dot_dimension_numbers<[1], [0], [0], [1], [0, 0, 1, 1], [], []>, transpose_lhs_hint = false} : vector<64x10000xf32>, vector<10000x128xf32>, vector<64x128xf32> -> vector<64x128xf32>
    %concatenate3A_264 = tpu.concatenate %mul3A_226, %dot_general3A_263 in 1 : vector<64x128xf32>, vector<64x128xf32> -> vector<64x256xf32>
    %get3A_265 = arith.constant 0 : index
    %get3A_266 = arith.constant 0 : index
    %get3A_267 = vector.load %arg6[%get3A_265, %get3A_266] : memref<128x256xf32, #tpu.memory_space<vmem>>, vector<128x256xf32>
    %transpose3A_268 = tpu.transpose %get3A_267, [1, 0] : vector<128x256xf32> -> vector<256x128xf32>
    %dot_general3A_269 = arith.constant dense<0.000000e+00> : vector<64x128xf32>
    %dot_general3A_270 = tpu.matmul %concatenate3A_264, %transpose3A_268, %dot_general3A_269 {dimension_numbers = #tpu.dot_dimension_numbers<[1], [0], [0], [1], [0, 0, 1, 1], [], []>, transpose_lhs_hint = false} : vector<64x256xf32>, vector<256x128xf32>, vector<64x128xf32> -> vector<64x128xf32>
    %swap3A = arith.constant 0 : index
    %swap3A_271 = arith.constant 0 : index
    %swap3A_272 = vector.load %arg7[%swap3A, %swap3A_271] : memref<64x128xf32, #tpu.memory_space<vmem>>, vector<64x128xf32>
    tpu.vector_store %arg7[%swap3A, %swap3A_271], %dot_general3A_270 {strides = array<i32>} : memref<64x128xf32, #tpu.memory_space<vmem>>, vector<64x128xf32>,
    return
  }
}

</mosaic_0001>

<sc_bundles>
// kernel: closed_call.9.cloned.1.call-start
scs
__scs_entry_jumppad:
0x0: {  	(pc) =	sbr.rel $0x88, $3  }
0x1: {  	(tag) =	ssettag $0x0;
	lr =	simm.s32 $0x1  }
0x2: {  	[smem:$0x3F96] =	sst lr;
	_ =	strace $0xD0000000  }
0x3: {  	_ = 	snop  }
0x4: {  	_ = 	snop  }
0x5: {  	_ = 	snop  }
0x6: {  	_ = 	snop  }
0x7: {  	_ = 	snop  }
__scs_overlays_trampoline_lowered:
0x8: {  	[smem:$0x3FA5] =	sst s0  }
0x9: {  	[smem:$0x3FA6] =	sst s1  }
0xa: {  	[smem:$0x3FA7] =	sst s2  }
0xb: {  	[smem:$0x3FA8] =	sst s3  }
0xc: {  	[smem:$0x3FA9] =	sst s4  }
0xd: {  	[smem:$0x3FAA] =	sst s5  }
0xe: {  	[smem:$0x3FAB] =	sst s6  }
0xf: {  	[smem:$0x3FAC] =	sst s7  }
0x10: {  	[smem:$0x3FAD] =	sst s8  }
0x11: {  	[smem:$0x3FAE] =	sst s9;
	s0 =	simm.s32 @!p0 $0x0  }
0x12: {  	s1 =	sld [smem:$0x3F94];
	s0 =	simm.s32 @p0 $0x1  }
0x13: {  	[smem:$0x3FAF] =	sst s0;
	s0 =	simm.s32 @!p1 $0x0  }
0x14: {  	s2 =	sld [smem:$0x3F93];
	s0 =	simm.s32 @p1 $0x1  }
0x15: {  	[smem:$0x3FB0] =	sst s0;
	s0 =	simm.s32 @!p2 $0x0  }
0x16: {  	s3 =	sld [smem:$0x3FDB];
	s0 =	simm.s32 @p2 $0x1  }
0x17: {  	s4 =	simm.s32 $0x1BF5;
	[smem:$0x3FB2] =	sst s0  }
0x18: {  	s0 =	sld [smem:$0x3F95];
	_ =	swait.ge [sflag:s4], $0x0  }
0x19: {  	s7 =	sld [smem:$0x3F96]  }
0x1a: {  	s8 =	sadd.s32 $0xFFFFE003, lr  }
0x1b: {  	s9 =	sadd.s32 $0xFFFFFEF7, lr;
	s5 =	simm.s32 $0xFFFFFFFF;
	p2 =	slt.u32 s8, $0xFFFFF086  }
0x1c: {  	p1 =	slt.u32 s9, $0xF7A;
	s5 =	simm.s32 @!p2 $0x0  }
0x1d: {  	s5 =	simm.s32 @p1 $0x1;
	p0 =	seq.s32 s7, s2  }
0x1e: {  	s7 =	smul.u32 @!p0 $0xF7A, s2;
	p2 =	seq.s32 @!p0 s5, $0x0  }
0x1f: {  	s9 =	smul.u32 $0xF7A, s1;
	s8 =	simm.s32 @!p0 $0x1BF5;
	p2 =	por !p2, p0  }
0x20: {  	[sflag:s8] =	ssyncset.s32 @!p0 $0xFFFFF086;
	s6 =	sadd.s32 @!p0 s3, s7;
	s7 =	simm.s32 @!p0 $0x108  }
0x21: {  	s3 =	sadd.s32 s3, s9;
	s6 =	sadd.s32 @!p0 $0x88, s6;
	s7 =	simm.s32 @p2 $0x1082  }
0x22: {  	[simem:s7], [sflag:s8] =	dma.local @!p0 [hbm:s6], $0xF7A  }
0x23: {  	s9 =	sor.u32 $0xD0000000, s2;
	s6 =	simm.s32 $0x108;
	_ =	swait.ge @!p0 [sflag:s8], $0x0  }
0x24: {  	s3 =	sadd.s32 $0x88, s3;
	s6 =	simm.s32 @!p1 $0x1082;
	[sflag:s4] =	ssyncset.s32 $0xFFFFF086  }
0x25: {  	[simem:s6], [sflag:s4] =	dma.local [hbm:s3], $0xF7A  }
0x26: {  	[smem:$0x3F96] =	sst s1;
	(tag) =	ssettag s2;
	_ =	strace s9  }
0x27: {  	s1 =	sld [smem:$0x3FA6]  }
0x28: {  	s2 =	sld [smem:$0x3FA7]  }
0x29: {  	s4 =	sld [smem:$0x3FA9]  }
0x2a: {  	p0 =	seq.s32 s5, $0x0;
	s5 =	sld [smem:$0x3FAA]  }
0x2b: {  	s6 =	sld [smem:$0x3FAB]  }
0x2c: {  	s7 =	sld [smem:$0x3FAC]  }
0x2d: {  	s3 =	simm.s32 $0x108;
	s8 =	sld [smem:$0x3FAD]  }
0x2e: {  	s3 =	simm.s32 @!p0 $0x1082;
	s9 =	sld [smem:$0x3FAE]  }
0x2f: {  	lr =	sadd.s32 s0, s3;
	s0 =	sld [smem:$0x3FA5]  }
0x30: {  	s3 =	sld [smem:$0x3FA8]  }
0x31: {  	[smem:$0x3FB1] =	sst s10  }
0x32: {  	s10 =	sld [smem:$0x3FAF];
	_ =	sdelay $0x3  }
0x33: {  	p0 =	seq.s32 s10, $0x1;
	s10 =	sld [smem:$0x3FB1];
	_ =	sdelay $0x3  }
0x34: {  	[smem:$0x3FB1] =	sst s10  }
0x35: {  	s10 =	sld [smem:$0x3FB0];
	_ =	sdelay $0x3  }
0x36: {  	p1 =	seq.s32 s10, $0x1;
	s10 =	sld [smem:$0x3FB1];
	_ =	sdelay $0x3  }
0x37: {  	[smem:$0x3FB1] =	sst s10  }
0x38: {  	s10 =	sld [smem:$0x3FB2]  }
0x39: {  	_ = 	snop;
	(pc) =	sbr.ind lr, $3  }
0x3a: {  	_ = 	snop  }
0x3b: {  	_ = 	snop  }
0x3c: {  	p2 =	seq.s32 s10, $0x1;
	s10 =	sld [smem:$0x3FB1]  }
0x3d: {  	_ =	shalt  }
0x3e: {  	_ =	shalt  }
0x3f: {  	_ =	shalt  }
0x40: {  	_ =	shalt  }
0x41: {  	_ =	shalt  }
0x42: {  	_ =	shalt  }
0x43: {  	_ =	shalt  }
0x44: {  	_ =	shalt  }
0x45: {  	_ =	shalt  }
0x46: {  	_ =	shalt  }
0x47: {  	_ =	shalt  }
0x48: {  	_ =	shalt  }
0x49: {  	_ =	shalt  }
0x4a: {  	_ =	shalt  }
0x4b: {  	_ =	shalt  }
0x4c: {  	_ =	shalt  }
0x4d: {  	_ =	shalt  }
0x4e: {  	_ =	shalt  }
0x4f: {  	_ =	shalt  }
0x50: {  	_ =	shalt  }
0x51: {  	_ =	shalt  }
0x52: {  	_ =	shalt  }
0x53: {  	_ =	shalt  }
0x54: {  	_ =	shalt  }
0x55: {  	_ =	shalt  }
0x56: {  	_ =	shalt  }
0x57: {  	_ =	shalt  }
0x58: {  	_ =	shalt  }
0x59: {  	_ =	shalt  }
0x5a: {  	_ =	shalt  }
0x5b: {  	_ =	shalt  }
0x5c: {  	_ =	shalt  }
0x5d: {  	_ =	shalt  }
0x5e: {  	_ =	shalt  }
0x5f: {  	_ =	shalt  }
0x60: {  	_ =	shalt  }
0x61: {  	_ =	shalt  }
0x62: {  	_ =	shalt  }
0x63: {  	_ =	shalt  }
0x64: {  	_ =	shalt  }
0x65: {  	_ =	shalt  }
0x66: {  	_ =	shalt  }
0x67: {  	_ =	shalt  }
0x68: {  	_ =	shalt  }
0x69: {  	_ =	shalt  }
0x6a: {  	_ =	shalt  }
0x6b: {  	_ =	shalt  }
0x6c: {  	_ =	shalt  }
0x6d: {  	_ =	shalt  }
0x6e: {  	_ =	shalt  }
0x6f: {  	_ =	shalt  }
0x70: {  	_ =	shalt  }
0x71: {  	_ =	shalt  }
0x72: {  	_ =	shalt  }
0x73: {  	_ =	shalt  }
0x74: {  	_ =	shalt  }
0x75: {  	_ =	shalt  }
0x76: {  	_ =	shalt  }
0x77: {  	_ =	shalt  }
0x78: {  	_ =	shalt  }
0x79: {  	_ =	shalt  }
0x7a: {  	_ =	shalt  }
0x7b: {  	_ =	shalt  }
0x7c: {  	_ =	shalt  }
0x7d: {  	_ =	shalt  }
0x7e: {  	_ =	shalt  }
0x7f: {  	_ =	shalt  }
0x80: {  	_ =	shalt  }
0x81: {  	_ =	shalt  }
0x82: {  	_ =	shalt  }
0x83: {  	_ =	shalt  }
0x84: {  	_ =	shalt  }
0x85: {  	_ =	shalt  }
0x86: {  	_ =	shalt  }
0x87: {  	_ =	shalt  }
.Lfunc_end0:
.L_simem_size_0:
called_computation_lowered:
.L_overlay_start_0:
0x88: {  	s2 =	sld [smem:$0x3FD9]  }
0x89: {  	s3 =	sld [smem:$0x3FFE];
	_ =	sdelay $0x1  }
0x8a: {  	s1 =	srdreg.scid  }
0x8b: {  	s0 =	sand.u32 $0x1, s1  }
0x8c: {  	s16 =	sshll.u32 s0, $0xA;
	s2 =	sadd.s32 s3, s2  }
0x8d: {  	s2 =	sadd.s32 s2, s16  }
0x8e: {  	[smem:$0x3FBD] =	sst s2  }
0x8f: {  	_ = 	snop  }
0x90: {  	(tm) =	ssettm $0x1  }
0x91: {  	s17 =	sld [smem:$0x3FFB];
	_ =	sdelay $0x3  }
0x92: {  	_ =	strace s17  }
0x93: {  	s2 =	sld [smem:$0x3FFC];
	_ =	sdelay $0x3  }
0x94: {  	_ =	strace s2  }
0x95: {  	s2 =	sld [smem:$0x3FFD];
	_ =	sdelay $0x3  }
0x96: {  	_ =	strace s2  }
0x97: {  	_ =	strace $0x8FFFFFFF  }
0x98: {  	s18 =	sld [smem:$0x3FDB];
	_ =	sdelay $0x1  }
0x99: {  	s19 =	simm.s32 $_scs_section_size  }
0x9a: {  	s4 =	simm.s32 $_size__tile_overlayer_lowered;
	s5 =	simm.s32 $_tile_overlayer_lowered  }
0x9b: {  	s22 =	simm.s32 $0x1BFF;
	s21 =	sshll.u32 s5, $0x1;
	s2 =	sadd.s32 s19, s18  }
0x9c: {  	s6 =	simm.s32 $0x0;
	s20 =	sshll.u32 s4, $0x1;
	s4 =	sadd.s32 s21, s2  }
0x9d: {  	[timem:s6], [sflag:s22] =	dma.local [hbm:s4], s20  }
0x9e: {  	_ =	swait.ge [sflag:s22], s20  }
0x9f: {  	s3 =	ssub.s32 $0x0, s20;
	[sflag:s22] =	ssyncset.done $0x0  }
0xa0: {  	[sflag:s22] =	ssyncadd.s32 s3;
	_ =	sdelay $0x1  }
0xa1: {  	s23 =	simm.s32 $0x1B8B  }
0xa2: {  	_ =	swait.ge [sflag:s23], $0x1  }
0xa3: {  	[sflag:s23] =	ssyncset.done $0x0  }
0xa4: {  	s25 =	simm.s32 $0x1B8E;
	s24 =	sld [smem:$0x3FFE];
	[sflag:s23] =	ssyncadd.s32 $0xFFFFFFFF  }
0xa5: {  	s26 =	simm.s32 $execute0_lowered;
	[smem:$0x3FD2] =	sst s25  }
0xa6: {  	s4 =	sshll.u32 s26, $0x1;
	_ =	strace $0x80000049;
	[dreg:$0x1] =	wrdreg $0xFFFFFFFF  }
0xa7: {  	s28 =	simm.s32 $_size_execute0_lowered;
	s2 =	sadd.s32 s2, s4;
	[dreg:$0x0] =	wrdreg $0x0  }
0xa8: {  	s4 =	sshll.u32 s28, $0x1;
	[dreg:$0x2] =	wrdreg s2  }
0xa9: {  	[dreg:$0x3] =	wrdreg s4  }
0xaa: {  	[dreg:$0x4] =	wrdreg $0xC0  }
0xab: {  	_ =	task [dreg:s6], $0x5FFFF  }
0xac: {  	[dreg:$0x1] =	wrdreg $0xFFFFFFFF  }
0xad: {  	[dreg:$0x0] =	wrdreg $0x60  }
0xae: {  	[dreg:$0x2] =	wrdreg s24  }
0xaf: {  	[dreg:$0x3] =	wrdreg $0x0  }
0xb0: {  	[dreg:$0x4] =	wrdreg $0x9  }
0xb1: {  	_ =	task.clear_ibuf [dreg:s6], $0x5FFFF;
	_ =	strace $0x90000049  }
0xb2: {  	s29 =	simm.s32 $0x9;
	_ =	strace $0x8000004B  }
0xb3: {  	_ =	swait.ge [sflag:s29], $0x1  }
0xb4: {  	[sflag:s29] =	ssyncadd.s32 $0xFFFFFFFF  }
0xb5: {  	_ =	strace $0x9000004B  }
0xb6: {  	_ =	sfence  }
0xb7: {  	s30 =	sld [smem:$0x0];
	_ =	sdelay $0x2  }
0xb8: {  	s31 =	sshll.u32 s1, $0xD;
	s1 =	sshrl.u32 s1, $0x2  }
0xb9: {  	s3 =	sand.u32 $0x4000, s31;
	s1 =	sadd.s32 s1, s30  }
0xba: {  	s0 =	sor.u32 s3, s0;
	s1 =	sshll.u32 s1, $0x11  }
0xbb: {  	s0 =	sor.u32 s1, s0  }
0xbc: {  	s0 =	sadd.s32 $0x8F2B, s0  }
0xbd: {  	[sflag:s0] =	ssyncadd.remote.s32 $0x1  }
0xbe: {  	_ =	sfence.sel $0xFFFF  }
0xbf: {  	[dreg:$0x0] =	wrdreg $0xFFFFFFFF;
	(pc) =	sbr.abs _section_cstart, $3  }
0xc0: {  	[dreg:$0x1] =	wrdreg $0xFFFFFFFF  }
0xc1: {  	_ =	task.clear_ibuf [dreg:s6], $0x2FFFF;
	_ =	strace $0x9FFFFFFF  }
0xc2: {  	(tm) =	ssettm $0x7FFFFFFF  }
0xc3: {  	_ =	shalt  }
tec
execute0_lowered:
.L_overlay_start_1:
0x0: {  	(tag) =	ssettag $0x1  }
0x1: {  	s7 =	rddreg [dreg:$0x0]  }
0x2: {  	s0 =	srdreg.scid;
	s2 =	rddreg [dreg:$0x1]  }
0x3: {  	s3 =	simm.s32 $0x0;
	s15 =	simm.s32 $0x3;
	s16 =	simm.s32 $0x80  }
0x4: {  	s17 =	simm.s32 $0x16400;
	s18 =	simm.s32 $0x13C80;
	s19 =	simm.s32 $0x1A400  }
0x5: {  	s20 =	simm.s32 $0x1;
	s21 =	simm.s32 $0x2;
	s22 =	simm.s32 $0x16300  }
0x6: {  	s23 =	simm.s32 $0x16380;
	s6 =	sand.u32 $0x1, s0;
	s0 =	stileid.u32  }
0x7: {  	s24 =	simm.s32 $0x0;
	[smem:$0x7FF] =	sst s3;
	s8 =	smul.u32 $0x2780, s0  }
0x8: {  	s1 =	sshll.u32 s6, $0x4;
	s9 =	smul.u32 $0x27800, s6;
	s6 =	ssub.s32 $0x2, s6  }
0x9: {  	s11 =	smul.u32 $0x4F000, s0;
	s31 =	sshll.u32 s0, $0x6;
	s4 =	sor.u32 s0, s1  }
0xa: {  	s1 =	rddreg [dreg:$0x2];
	_ =	strace $0x8000004A;
	s29 =	sshrl.u32 s6, $0x1  }
0xb: {  	s5 =	smul.u32 $0x280, s4;
	s4 =	sadd.s32 $0xC000, s7;
	s8 =	sadd.s32 s8, s9  }
0xc: {  	s13 =	ssub.s32 s6, s29;
	s30 =	sshrl.u32 s11, $0x2;
	s11 =	simm.s32 $0x13C00  }
0xd: {  	s12 =	sadd.s32 s8, s7;
	s14 =	sadd.s32 s30, s2;
	s8 =	sor.u32 $0x1C04, s31  }
0xe: {  	s10 =	sadd.s32 s5, s7;
	s5 =	sadd.s32 $0x33200, s7;
	s9 =	sadd.s32 $0x35A00, s12  }
0xf: {  	s12 =	simm.s32 $0x15000;
	s6 =	sadd.s32 $0x2000, s10;
	s7 =	sadd.s32 $0x7000, s10  }
0x10: {  	s10 =	smax.u32 s13, $0x1;
	s13 =	sshrl.u32 s14, $0x3;
	s14 =	simm.s32 $0x4  }
.LBB2_1:
0x11: {  	[tilespmem:s11], [sflag:$0x3] =	stream.linear.gather [hbm4b:s6+s3], $0x1400, $0x38;
	[tilespmem:$0x1E400] =	vst v63  }
0x12: {  	_ = 	snop  }
0x13: {  	[tilespmem:s12], [sflag:$0x3] =	stream.linear.gather [hbm4b:s7+s3], $0x1400, $0x38;
	[tilespmem:$0x1E400] =	vst v63  }
0x14: {  	[spmem:s13], [sflag:s8] =	dma.local [hbm:s5], $0x2780  }
0x15: {  	_ =	swait.ge [sflag:s14], $0x2780  }
0x16: {  	[sflag:s14] =	ssyncset.done $0x0  }
0x17: {  	[sflag:s14] =	ssyncadd.s32 $0xFFFFD880  }
0x18: {  	_ =	swait.ge [sflag:s15], $0x1400  }
0x19: {  	[sflag:s15] =	ssyncset.done $0x0  }
0x1a: {  	[sflag:s15] =	ssyncadd.s32 $0xFFFFEC00  }
0x1b: {  	_ =	swait.ge [sflag:s15], $0x1400  }
0x1c: {  	[sflag:s15] =	ssyncset.done $0x0  }
0x1d: {  	[sflag:s15] =	ssyncadd.s32 $0xFFFFEC00  }
0x1e: {  	[tilespmem:s17], [sflag:$0x1] =	stream.indirect.gather [hbm4b:s4+s16], $0x80, s11, s16, $0xb8;
	[tilespmem:$0x1E400] =	vst v63  }
0x1f: {  	_ = 	snop  }
0x20: {  	[tilespmem:s19], [sflag:$0x2] =	stream.indirect.gather [hbm4b:s4+s16], $0x80, s18, s16, $0xb8;
	[tilespmem:$0x1E400] =	vst v63  }
0x21: {  	[bflag:$0x0] =	sbarrier.arrive $0xFFFF  }
0x22: {  	_ =	swait.ge [sflag:s20], $0x4000  }
0x23: {  	[sflag:s20] =	ssyncset.done $0x0  }
0x24: {  	s25 =	simm.s32 $0x15000;
	[sflag:s20] =	ssyncadd.s32 $0xFFFFC000  }
0x25: {  	[spmem:s2] =	stream.indirect.scatter.add.f32 [tilespmem:s17], [sflag:$0x4], $0x80, s25, s16, $0xb8;
	[tilespmem:$0x1E400] =	vst v63  }
0x26: {  	_ =	swait.ge [sflag:s14], $0x4000  }
0x27: {  	[sflag:s14] =	ssyncset.done $0x0  }
0x28: {  	s30 =	simm.s32 $0x13D00;
	[sflag:s14] =	ssyncadd.s32 $0xFFFFC000  }
0x29: {  	[tilespmem:s17], [sflag:$0x1] =	stream.indirect.gather [hbm4b:s4+s16], $0x80, s30, s16, $0xb8;
	[tilespmem:$0x1E400] =	vst v63  }
0x2a: {  	_ =	swait.ge [sflag:s21], $0x4000  }
0x2b: {  	[sflag:s21] =	ssyncset.done $0x0  }
0x2c: {  	s31 =	simm.s32 $0x15080;
	[sflag:s21] =	ssyncadd.s32 $0xFFFFC000  }
0x2d: {  	[spmem:s2] =	stream.indirect.scatter.add.f32 [tilespmem:s19], [sflag:$0x4], $0x80, s31, s16, $0xb8;
	[tilespmem:$0x1E400] =	vst v63  }
0x2e: {  	_ =	swait.ge [sflag:s14], $0x4000  }
0x2f: {  	[sflag:s14] =	ssyncset.done $0x0  }
0x30: {  	s26 =	simm.s32 $0x13D80;
	s25 =	simm.s32 $0x400;
	[sflag:s14] =	ssyncadd.s32 $0xFFFFC000  }
.LBB2_2:
0x31: {  	[tilespmem:s19], [sflag:$0x2] =	stream.indirect.gather [hbm4b:s4+s16], $0x80, s26, s16, $0xb8;
	[tilespmem:$0x1E400] =	vst v63  }
0x32: {  	s26 =	smov.u32 s25  }
0x33: {  	p0 =	sne.s32 s25, $0x4800;
	s25 =	sadd.s32 $0x400, s25;
	_ =	swait.ge [sflag:s20], $0x4000  }
0x34: {  	s26 =	sshra.s32 s26, $0x2;
	[sflag:s20] =	ssyncset.done $0x0  }
0x35: {  	s28 =	sadd.s32 $0x15000, s26;
	[sflag:s20] =	ssyncadd.s32 $0xFFFFC000  }
0x36: {  	[spmem:s2] =	stream.indirect.scatter.add.f32 [tilespmem:s17], [sflag:$0x4], $0x80, s28, s16, $0xb8;
	[tilespmem:$0x1E400] =	vst v63  }
0x37: {  	_ =	swait.ge [sflag:s14], $0x4000  }
0x38: {  	[sflag:s14] =	ssyncset.done $0x0  }
0x39: {  	s28 =	sadd.s32 $0x13D00, s26;
	[sflag:s14] =	ssyncadd.s32 $0xFFFFC000  }
0x3a: {  	[tilespmem:s17], [sflag:$0x1] =	stream.indirect.gather [hbm4b:s4+s16], $0x80, s28, s16, $0xb8;
	[tilespmem:$0x1E400] =	vst v63  }
0x3b: {  	_ =	swait.ge [sflag:s21], $0x4000  }
0x3c: {  	[sflag:s21] =	ssyncset.done $0x0  }
.Ltmp0:
0x3d: {  	s28 =	sadd.s32 $0x15080, s26;
	[sflag:s21] =	ssyncadd.s32 $0xFFFFC000;
	(pc) =	sbr.rel @p0 .LBB2_2-.Ltmp0, $4  }
0x3e: {  	[spmem:s2] =	stream.indirect.scatter.add.f32 [tilespmem:s19], [sflag:$0x4], $0x80, s28, s16, $0xb8;
	[tilespmem:$0x1E400] =	vst v63  }
0x3f: {  	_ =	swait.ge [sflag:s14], $0x4000  }
0x40: {  	[sflag:s14] =	ssyncset.done $0x0  }
0x41: {  	s26 =	sadd.s32 $0x13D80, s26;
	[sflag:s14] =	ssyncadd.s32 $0xFFFFC000  }
0x42: {  	[tilespmem:s19], [sflag:$0x2] =	stream.indirect.gather [hbm4b:s4+s16], $0x80, s26, s16, $0xb8;
	[tilespmem:$0x1E400] =	vst v63  }
0x43: {  	_ =	swait.ge [sflag:s20], $0x4000  }
0x44: {  	[sflag:s20] =	ssyncset.done $0x0  }
0x45: {  	[sflag:s20] =	ssyncadd.s32 $0xFFFFC000  }
0x46: {  	[spmem:s2] =	stream.indirect.scatter.add.f32 [tilespmem:s17], [sflag:$0x4], $0x80, s22, s16, $0xb8;
	[tilespmem:$0x1E400] =	vst v63  }
0x47: {  	_ =	swait.ge [sflag:s14], $0x4000  }
0x48: {  	[sflag:s14] =	ssyncset.done $0x0  }
0x49: {  	[sflag:s14] =	ssyncadd.s32 $0xFFFFC000  }
0x4a: {  	_ =	swait.ge [sflag:s21], $0x4000  }
0x4b: {  	[sflag:s21] =	ssyncset.done $0x0  }
0x4c: {  	[sflag:s21] =	ssyncadd.s32 $0xFFFFC000  }
0x4d: {  	[spmem:s2] =	stream.indirect.scatter.add.f32 [tilespmem:s19], [sflag:$0x4], $0x80, s23, s16, $0xb8;
	[tilespmem:$0x1E400] =	vst v63  }
0x4e: {  	_ =	swait.ge [sflag:s14], $0x4000  }
0x4f: {  	s24 =	sadd.s32 $0x1, s24;
	[sflag:s14] =	ssyncset.done $0x0  }
0x50: {  	p0 =	sne.s32 s24, s10;
	[sflag:s14] =	ssyncadd.s32 $0xFFFFC000  }
.Ltmp1:
0x51: {  	[bflag:$0x0] =	sbarrier.arrive $0xFFFF;
	(pc) =	sbr.rel @p0 .LBB2_1-.Ltmp1, $4  }
0x52: {  	[hbm:s9], [sflag:s8] =	dma.local [spmem:s13], $0x2780  }
0x53: {  	_ =	swait.ge [sflag:s14], $0x2780  }
0x54: {  	[sflag:s14] =	ssyncset.done $0x0  }
0x55: {  	[sflag:s14] =	ssyncadd.s32 $0xFFFFD880  }
0x56: {  	_ =	sfence.sel $0x180000  }
0x57: {  	[bflag:$0x0] =	sbarrier.arrive $0xFFFF  }
0x58: {  	p0 =	sne.s32 s0, $0x0;
	_ =	strace $0x9000004A  }
0x59: {  	s0 =	sadd.s32 @!p0 $0x100000, s1;
	[bflag:$0x2] =	sbarrier.arrive $0xFFFF  }
0x5a: {  	[sflag:s0] =	ssyncadd.tile.s32 @!p0 $0x1;
	_ =	shalt  }
.Lfunc_end2:
_tile_overlayer_lowered:
.L_overlay_start_2:
0x5b: {  	(tag) =	ssettag $0x2  }
0x5c: {  	s0 =	rddreg [dreg:$0x0];
	s2 =	stileid.u32  }
0x5d: {  	s1 =	rddreg [dreg:$0x1];
	p0 =	sne.s32 s2, $0x0  }
0x5e: {  	s3 =	rddreg [dreg:$0x2];
	[bflag:$0x3] =	sbarrier.arrive $0xFFFF;
	s2 =	simm.s32 @!p0 $0x1C04  }
0x5f: {  	[timem:s3], [sflag:s2] =	dma.local @!p0 [hbm:s0], s1  }
0x60: {  	s0 =	simm.s32 @!p0 $0x4  }
0x61: {  	_ =	swait.ge @!p0 [sflag:s0], s1  }
0x62: {  	s1 =	ssub.s32 @!p0 $0x0, s1;
	[sflag:s0] =	ssyncset.done @!p0 $0x0  }
0x63: {  	[sflag:s0] =	ssyncadd.s32 @!p0 s1  }
0x64: {  	[bflag:$0x3] =	sbarrier.arrive $0xFFFF  }
0x65: {  	_ =	shalt  }

// kernel: kernel.6.cloned.1.call-start
scs
__scs_entry_jumppad:
0x0: {  	(pc) =	sbr.rel $0x88, $3  }
0x1: {  	(tag) =	ssettag $0x0;
	lr =	simm.s32 $0x1  }
0x2: {  	[smem:$0x3F96] =	sst lr;
	_ =	strace $0xD0000000  }
0x3: {  	_ = 	snop  }
0x4: {  	_ = 	snop  }
0x5: {  	_ = 	snop  }
0x6: {  	_ = 	snop  }
0x7: {  	_ = 	snop  }
__scs_overlays_trampoline_lowered:
0x8: {  	[smem:$0x3FA5] =	sst s0  }
0x9: {  	[smem:$0x3FA6] =	sst s1  }
0xa: {  	[smem:$0x3FA7] =	sst s2  }
0xb: {  	[smem:$0x3FA8] =	sst s3  }
0xc: {  	[smem:$0x3FA9] =	sst s4  }
0xd: {  	[smem:$0x3FAA] =	sst s5  }
0xe: {  	[smem:$0x3FAB] =	sst s6  }
0xf: {  	[smem:$0x3FAC] =	sst s7  }
0x10: {  	[smem:$0x3FAD] =	sst s8  }
0x11: {  	[smem:$0x3FAE] =	sst s9;
	s0 =	simm.s32 @!p0 $0x0  }
0x12: {  	s1 =	sld [smem:$0x3F94];
	s0 =	simm.s32 @p0 $0x1  }
0x13: {  	[smem:$0x3FAF] =	sst s0;
	s0 =	simm.s32 @!p1 $0x0  }
0x14: {  	s2 =	sld [smem:$0x3F93];
	s0 =	simm.s32 @p1 $0x1  }
0x15: {  	[smem:$0x3FB0] =	sst s0;
	s0 =	simm.s32 @!p2 $0x0  }
0x16: {  	s3 =	sld [smem:$0x3FDB];
	s0 =	simm.s32 @p2 $0x1  }
0x17: {  	s4 =	simm.s32 $0x1BF5;
	[smem:$0x3FB2] =	sst s0  }
0x18: {  	s0 =	sld [smem:$0x3F95];
	_ =	swait.ge [sflag:s4], $0x0  }
0x19: {  	s7 =	sld [smem:$0x3F96]  }
0x1a: {  	s8 =	sadd.s32 $0xFFFFE003, lr  }
0x1b: {  	s9 =	sadd.s32 $0xFFFFFEF7, lr;
	s5 =	simm.s32 $0xFFFFFFFF;
	p2 =	slt.u32 s8, $0xFFFFF086  }
0x1c: {  	p1 =	slt.u32 s9, $0xF7A;
	s5 =	simm.s32 @!p2 $0x0  }
0x1d: {  	s5 =	simm.s32 @p1 $0x1;
	p0 =	seq.s32 s7, s2  }
0x1e: {  	s7 =	smul.u32 @!p0 $0xF7A, s2;
	p2 =	seq.s32 @!p0 s5, $0x0  }
0x1f: {  	s9 =	smul.u32 $0xF7A, s1;
	s8 =	simm.s32 @!p0 $0x1BF5;
	p2 =	por !p2, p0  }
0x20: {  	[sflag:s8] =	ssyncset.s32 @!p0 $0xFFFFF086;
	s6 =	sadd.s32 @!p0 s3, s7;
	s7 =	simm.s32 @!p0 $0x108  }
0x21: {  	s3 =	sadd.s32 s3, s9;
	s6 =	sadd.s32 @!p0 $0x88, s6;
	s7 =	simm.s32 @p2 $0x1082  }
0x22: {  	[simem:s7], [sflag:s8] =	dma.local @!p0 [hbm:s6], $0xF7A  }
0x23: {  	s9 =	sor.u32 $0xD0000000, s2;
	s6 =	simm.s32 $0x108;
	_ =	swait.ge @!p0 [sflag:s8], $0x0  }
0x24: {  	s3 =	sadd.s32 $0x88, s3;
	s6 =	simm.s32 @!p1 $0x1082;
	[sflag:s4] =	ssyncset.s32 $0xFFFFF086  }
0x25: {  	[simem:s6], [sflag:s4] =	dma.local [hbm:s3], $0xF7A  }
0x26: {  	[smem:$0x3F96] =	sst s1;
	(tag) =	ssettag s2;
	_ =	strace s9  }
0x27: {  	s1 =	sld [smem:$0x3FA6]  }
0x28: {  	s2 =	sld [smem:$0x3FA7]  }
0x29: {  	s4 =	sld [smem:$0x3FA9]  }
0x2a: {  	p0 =	seq.s32 s5, $0x0;
	s5 =	sld [smem:$0x3FAA]  }
0x2b: {  	s6 =	sld [smem:$0x3FAB]  }
0x2c: {  	s7 =	sld [smem:$0x3FAC]  }
0x2d: {  	s3 =	simm.s32 $0x108;
	s8 =	sld [smem:$0x3FAD]  }
0x2e: {  	s3 =	simm.s32 @!p0 $0x1082;
	s9 =	sld [smem:$0x3FAE]  }
0x2f: {  	lr =	sadd.s32 s0, s3;
	s0 =	sld [smem:$0x3FA5]  }
0x30: {  	s3 =	sld [smem:$0x3FA8]  }
0x31: {  	[smem:$0x3FB1] =	sst s10  }
0x32: {  	s10 =	sld [smem:$0x3FAF];
	_ =	sdelay $0x3  }
0x33: {  	p0 =	seq.s32 s10, $0x1;
	s10 =	sld [smem:$0x3FB1];
	_ =	sdelay $0x3  }
0x34: {  	[smem:$0x3FB1] =	sst s10  }
0x35: {  	s10 =	sld [smem:$0x3FB0];
	_ =	sdelay $0x3  }
0x36: {  	p1 =	seq.s32 s10, $0x1;
	s10 =	sld [smem:$0x3FB1];
	_ =	sdelay $0x3  }
0x37: {  	[smem:$0x3FB1] =	sst s10  }
0x38: {  	s10 =	sld [smem:$0x3FB2]  }
0x39: {  	_ = 	snop;
	(pc) =	sbr.ind lr, $3  }
0x3a: {  	_ = 	snop  }
0x3b: {  	_ = 	snop  }
0x3c: {  	p2 =	seq.s32 s10, $0x1;
	s10 =	sld [smem:$0x3FB1]  }
0x3d: {  	_ =	shalt  }
0x3e: {  	_ =	shalt  }
0x3f: {  	_ =	shalt  }
0x40: {  	_ =	shalt  }
0x41: {  	_ =	shalt  }
0x42: {  	_ =	shalt  }
0x43: {  	_ =	shalt  }
0x44: {  	_ =	shalt  }
0x45: {  	_ =	shalt  }
0x46: {  	_ =	shalt  }
0x47: {  	_ =	shalt  }
0x48: {  	_ =	shalt  }
0x49: {  	_ =	shalt  }
0x4a: {  	_ =	shalt  }
0x4b: {  	_ =	shalt  }
0x4c: {  	_ =	shalt  }
0x4d: {  	_ =	shalt  }
0x4e: {  	_ =	shalt  }
0x4f: {  	_ =	shalt  }
0x50: {  	_ =	shalt  }
0x51: {  	_ =	shalt  }
0x52: {  	_ =	shalt  }
0x53: {  	_ =	shalt  }
0x54: {  	_ =	shalt  }
0x55: {  	_ =	shalt  }
0x56: {  	_ =	shalt  }
0x57: {  	_ =	shalt  }
0x58: {  	_ =	shalt  }
0x59: {  	_ =	shalt  }
0x5a: {  	_ =	shalt  }
0x5b: {  	_ =	shalt  }
0x5c: {  	_ =	shalt  }
0x5d: {  	_ =	shalt  }
0x5e: {  	_ =	shalt  }
0x5f: {  	_ =	shalt  }
0x60: {  	_ =	shalt  }
0x61: {  	_ =	shalt  }
0x62: {  	_ =	shalt  }
0x63: {  	_ =	shalt  }
0x64: {  	_ =	shalt  }
0x65: {  	_ =	shalt  }
0x66: {  	_ =	shalt  }
0x67: {  	_ =	shalt  }
0x68: {  	_ =	shalt  }
0x69: {  	_ =	shalt  }
0x6a: {  	_ =	shalt  }
0x6b: {  	_ =	shalt  }
0x6c: {  	_ =	shalt  }
0x6d: {  	_ =	shalt  }
0x6e: {  	_ =	shalt  }
0x6f: {  	_ =	shalt  }
0x70: {  	_ =	shalt  }
0x71: {  	_ =	shalt  }
0x72: {  	_ =	shalt  }
0x73: {  	_ =	shalt  }
0x74: {  	_ =	shalt  }
0x75: {  	_ =	shalt  }
0x76: {  	_ =	shalt  }
0x77: {  	_ =	shalt  }
0x78: {  	_ =	shalt  }
0x79: {  	_ =	shalt  }
0x7a: {  	_ =	shalt  }
0x7b: {  	_ =	shalt  }
0x7c: {  	_ =	shalt  }
0x7d: {  	_ =	shalt  }
0x7e: {  	_ =	shalt  }
0x7f: {  	_ =	shalt  }
0x80: {  	_ =	shalt  }
0x81: {  	_ =	shalt  }
0x82: {  	_ =	shalt  }
0x83: {  	_ =	shalt  }
0x84: {  	_ =	shalt  }
0x85: {  	_ =	shalt  }
0x86: {  	_ =	shalt  }
0x87: {  	_ =	shalt  }
.Lfunc_end0:
.L_simem_size_0:
called_computation.1_lowered:
.L_overlay_start_0:
0x88: {  	s2 =	sld [smem:$0x3FD9]  }
0x89: {  	s3 =	sld [smem:$0x3FFE];
	_ =	sdelay $0x1  }
0x8a: {  	s1 =	srdreg.scid  }
0x8b: {  	s0 =	sand.u32 $0x1, s1  }
0x8c: {  	s16 =	sshll.u32 s0, $0xA;
	s2 =	sadd.s32 s3, s2  }
0x8d: {  	s2 =	sadd.s32 s2, s16  }
0x8e: {  	[smem:$0x3FBD] =	sst s2  }
0x8f: {  	_ = 	snop  }
0x90: {  	(tm) =	ssettm $0x1  }
0x91: {  	s17 =	sld [smem:$0x3FFB];
	_ =	sdelay $0x3  }
0x92: {  	_ =	strace s17  }
0x93: {  	s2 =	sld [smem:$0x3FFC];
	_ =	sdelay $0x3  }
0x94: {  	_ =	strace s2  }
0x95: {  	s2 =	sld [smem:$0x3FFD];
	_ =	sdelay $0x3  }
0x96: {  	_ =	strace s2  }
0x97: {  	_ =	strace $0x8FFFFFFF  }
0x98: {  	s18 =	sld [smem:$0x3FDB];
	_ =	sdelay $0x1  }
0x99: {  	s19 =	simm.s32 $_scs_section_size  }
0x9a: {  	s4 =	simm.s32 $_size__tile_overlayer_lowered;
	s5 =	simm.s32 $_tile_overlayer_lowered  }
0x9b: {  	s22 =	simm.s32 $0x1BFF;
	s21 =	sshll.u32 s5, $0x1;
	s2 =	sadd.s32 s19, s18  }
0x9c: {  	s6 =	simm.s32 $0x0;
	s20 =	sshll.u32 s4, $0x1;
	s4 =	sadd.s32 s21, s2  }
0x9d: {  	[timem:s6], [sflag:s22] =	dma.local [hbm:s4], s20  }
0x9e: {  	_ =	swait.ge [sflag:s22], s20  }
0x9f: {  	s3 =	ssub.s32 $0x0, s20;
	[sflag:s22] =	ssyncset.done $0x0  }
0xa0: {  	[sflag:s22] =	ssyncadd.s32 s3;
	_ =	sdelay $0x1  }
0xa1: {  	s23 =	simm.s32 $0x1B8B  }
0xa2: {  	_ =	swait.ge [sflag:s23], $0x1  }
0xa3: {  	[sflag:s23] =	ssyncset.done $0x0  }
0xa4: {  	s25 =	simm.s32 $0x1B8E;
	s24 =	sld [smem:$0x3FFE];
	[sflag:s23] =	ssyncadd.s32 $0xFFFFFFFF  }
0xa5: {  	s26 =	simm.s32 $execute0_lowered;
	[smem:$0x3FD2] =	sst s25  }
0xa6: {  	s4 =	sshll.u32 s26, $0x1;
	_ =	strace $0x80000046;
	[dreg:$0x1] =	wrdreg $0xFFFFFFFF  }
0xa7: {  	s28 =	simm.s32 $_size_execute0_lowered;
	s2 =	sadd.s32 s2, s4;
	[dreg:$0x0] =	wrdreg $0x0  }
0xa8: {  	s4 =	sshll.u32 s28, $0x1;
	[dreg:$0x2] =	wrdreg s2  }
0xa9: {  	[dreg:$0x3] =	wrdreg s4  }
0xaa: {  	[dreg:$0x4] =	wrdreg $0xC0  }
0xab: {  	_ =	task [dreg:s6], $0x5FFFF  }
0xac: {  	[dreg:$0x1] =	wrdreg $0xFFFFFFFF  }
0xad: {  	[dreg:$0x0] =	wrdreg $0x60  }
0xae: {  	[dreg:$0x2] =	wrdreg s24  }
0xaf: {  	[dreg:$0x3] =	wrdreg $0x0  }
0xb0: {  	[dreg:$0x4] =	wrdreg $0x9  }
0xb1: {  	_ =	task.clear_ibuf [dreg:s6], $0x5FFFF;
	_ =	strace $0x90000046  }
0xb2: {  	s29 =	simm.s32 $0x9;
	_ =	strace $0x80000048  }
0xb3: {  	_ =	swait.ge [sflag:s29], $0x1  }
0xb4: {  	[sflag:s29] =	ssyncadd.s32 $0xFFFFFFFF  }
0xb5: {  	_ =	strace $0x90000048  }
0xb6: {  	_ =	sfence  }
0xb7: {  	s30 =	sld [smem:$0x0];
	_ =	sdelay $0x2  }
0xb8: {  	s31 =	sshll.u32 s1, $0xD;
	s1 =	sshrl.u32 s1, $0x2  }
0xb9: {  	s3 =	sand.u32 $0x4000, s31;
	s1 =	sadd.s32 s1, s30  }
0xba: {  	s0 =	sor.u32 s3, s0;
	s1 =	sshll.u32 s1, $0x11  }
0xbb: {  	s0 =	sor.u32 s1, s0  }
0xbc: {  	s0 =	sadd.s32 $0x8F2B, s0  }
0xbd: {  	[sflag:s0] =	ssyncadd.remote.s32 $0x1  }
0xbe: {  	_ =	sfence.sel $0xFFFF  }
0xbf: {  	[dreg:$0x0] =	wrdreg $0xFFFFFFFF;
	(pc) =	sbr.abs _section_cstart, $3  }
0xc0: {  	[dreg:$0x1] =	wrdreg $0xFFFFFFFF  }
0xc1: {  	_ =	task.clear_ibuf [dreg:s6], $0x2FFFF;
	_ =	strace $0x9FFFFFFF  }
0xc2: {  	(tm) =	ssettm $0x7FFFFFFF  }
0xc3: {  	_ =	shalt  }
tec
execute0_lowered:
.L_overlay_start_1:
0x0: {  	(tag) =	ssettag $0x1  }
0x1: {  	s7 =	rddreg [dreg:$0x0]  }
0x2: {  	s0 =	srdreg.scid;
	s2 =	rddreg [dreg:$0x1]  }
0x3: {  	s3 =	simm.s32 $0x0;
	s15 =	simm.s32 $0x3;
	s16 =	simm.s32 $0x80  }
0x4: {  	s17 =	simm.s32 $0x16400;
	s18 =	simm.s32 $0x13C80;
	s19 =	simm.s32 $0x1A400  }
0x5: {  	s20 =	simm.s32 $0x1;
	s21 =	simm.s32 $0x2;
	s22 =	simm.s32 $0x16300  }
0x6: {  	s23 =	simm.s32 $0x16380;
	s6 =	sand.u32 $0x1, s0;
	s0 =	stileid.u32  }
0x7: {  	s24 =	simm.s32 $0x0;
	[smem:$0x7FF] =	sst s3;
	s8 =	smul.u32 $0x2780, s0  }
0x8: {  	s1 =	sshll.u32 s6, $0x4;
	s9 =	smul.u32 $0x27800, s6;
	s6 =	ssub.s32 $0x2, s6  }
0x9: {  	s11 =	smul.u32 $0x4F000, s0;
	s31 =	sshll.u32 s0, $0x6;
	s4 =	sor.u32 s0, s1  }
0xa: {  	s1 =	rddreg [dreg:$0x2];
	_ =	strace $0x80000047;
	s29 =	sshrl.u32 s6, $0x1  }
0xb: {  	s5 =	smul.u32 $0x280, s4;
	s4 =	sadd.s32 $0xC000, s7;
	s8 =	sadd.s32 s8, s9  }
0xc: {  	s13 =	ssub.s32 s6, s29;
	s30 =	sshrl.u32 s11, $0x2;
	s11 =	simm.s32 $0x13C00  }
0xd: {  	s12 =	sadd.s32 s8, s7;
	s14 =	sadd.s32 s30, s2;
	s8 =	sor.u32 $0x1C04, s31  }
0xe: {  	s10 =	sadd.s32 s5, s7;
	s5 =	sadd.s32 $0x33200, s7;
	s9 =	sadd.s32 $0x35A00, s12  }
0xf: {  	s12 =	simm.s32 $0x15000;
	s6 =	sadd.s32 $0x2000, s10;
	s7 =	sadd.s32 $0x7000, s10  }
0x10: {  	s10 =	smax.u32 s13, $0x1;
	s13 =	sshrl.u32 s14, $0x3;
	s14 =	simm.s32 $0x4  }
.LBB2_1:
0x11: {  	[tilespmem:s11], [sflag:$0x3] =	stream.linear.gather [hbm4b:s6+s3], $0x1400, $0x38;
	[tilespmem:$0x1E400] =	vst v63  }
0x12: {  	_ = 	snop  }
0x13: {  	[tilespmem:s12], [sflag:$0x3] =	stream.linear.gather [hbm4b:s7+s3], $0x1400, $0x38;
	[tilespmem:$0x1E400] =	vst v63  }
0x14: {  	[spmem:s13], [sflag:s8] =	dma.local [hbm:s5], $0x2780  }
0x15: {  	_ =	swait.ge [sflag:s14], $0x2780  }
0x16: {  	[sflag:s14] =	ssyncset.done $0x0  }
0x17: {  	[sflag:s14] =	ssyncadd.s32 $0xFFFFD880  }
0x18: {  	_ =	swait.ge [sflag:s15], $0x1400  }
0x19: {  	[sflag:s15] =	ssyncset.done $0x0  }
0x1a: {  	[sflag:s15] =	ssyncadd.s32 $0xFFFFEC00  }
0x1b: {  	_ =	swait.ge [sflag:s15], $0x1400  }
0x1c: {  	[sflag:s15] =	ssyncset.done $0x0  }
0x1d: {  	[sflag:s15] =	ssyncadd.s32 $0xFFFFEC00  }
0x1e: {  	[tilespmem:s17], [sflag:$0x1] =	stream.indirect.gather [hbm4b:s4+s16], $0x80, s11, s16, $0xb8;
	[tilespmem:$0x1E400] =	vst v63  }
0x1f: {  	_ = 	snop  }
0x20: {  	[tilespmem:s19], [sflag:$0x2] =	stream.indirect.gather [hbm4b:s4+s16], $0x80, s18, s16, $0xb8;
	[tilespmem:$0x1E400] =	vst v63  }
0x21: {  	[bflag:$0x0] =	sbarrier.arrive $0xFFFF  }
0x22: {  	_ =	swait.ge [sflag:s20], $0x4000  }
0x23: {  	[sflag:s20] =	ssyncset.done $0x0  }
0x24: {  	s25 =	simm.s32 $0x15000;
	[sflag:s20] =	ssyncadd.s32 $0xFFFFC000  }
0x25: {  	[spmem:s2] =	stream.indirect.scatter.add.f32 [tilespmem:s17], [sflag:$0x4], $0x80, s25, s16, $0xb8;
	[tilespmem:$0x1E400] =	vst v63  }
0x26: {  	_ =	swait.ge [sflag:s14], $0x4000  }
0x27: {  	[sflag:s14] =	ssyncset.done $0x0  }
0x28: {  	s30 =	simm.s32 $0x13D00;
	[sflag:s14] =	ssyncadd.s32 $0xFFFFC000  }
0x29: {  	[tilespmem:s17], [sflag:$0x1] =	stream.indirect.gather [hbm4b:s4+s16], $0x80, s30, s16, $0xb8;
	[tilespmem:$0x1E400] =	vst v63  }
0x2a: {  	_ =	swait.ge [sflag:s21], $0x4000  }
0x2b: {  	[sflag:s21] =	ssyncset.done $0x0  }
0x2c: {  	s31 =	simm.s32 $0x15080;
	[sflag:s21] =	ssyncadd.s32 $0xFFFFC000  }
0x2d: {  	[spmem:s2] =	stream.indirect.scatter.add.f32 [tilespmem:s19], [sflag:$0x4], $0x80, s31, s16, $0xb8;
	[tilespmem:$0x1E400] =	vst v63  }
0x2e: {  	_ =	swait.ge [sflag:s14], $0x4000  }
0x2f: {  	[sflag:s14] =	ssyncset.done $0x0  }
0x30: {  	s26 =	simm.s32 $0x13D80;
	s25 =	simm.s32 $0x400;
	[sflag:s14] =	ssyncadd.s32 $0xFFFFC000  }
.LBB2_2:
0x31: {  	[tilespmem:s19], [sflag:$0x2] =	stream.indirect.gather [hbm4b:s4+s16], $0x80, s26, s16, $0xb8;
	[tilespmem:$0x1E400] =	vst v63  }
0x32: {  	s26 =	smov.u32 s25  }
0x33: {  	p0 =	sne.s32 s25, $0x4800;
	s25 =	sadd.s32 $0x400, s25;
	_ =	swait.ge [sflag:s20], $0x4000  }
0x34: {  	s26 =	sshra.s32 s26, $0x2;
	[sflag:s20] =	ssyncset.done $0x0  }
0x35: {  	s28 =	sadd.s32 $0x15000, s26;
	[sflag:s20] =	ssyncadd.s32 $0xFFFFC000  }
0x36: {  	[spmem:s2] =	stream.indirect.scatter.add.f32 [tilespmem:s17], [sflag:$0x4], $0x80, s28, s16, $0xb8;
	[tilespmem:$0x1E400] =	vst v63  }
0x37: {  	_ =	swait.ge [sflag:s14], $0x4000  }
0x38: {  	[sflag:s14] =	ssyncset.done $0x0  }
0x39: {  	s28 =	sadd.s32 $0x13D00, s26;
	[sflag:s14] =	ssyncadd.s32 $0xFFFFC000  }
0x3a: {  	[tilespmem:s17], [sflag:$0x1] =	stream.indirect.gather [hbm4b:s4+s16], $0x80, s28, s16, $0xb8;
	[tilespmem:$0x1E400] =	vst v63  }
0x3b: {  	_ =	swait.ge [sflag:s21], $0x4000  }
0x3c: {  	[sflag:s21] =	ssyncset.done $0x0  }
.Ltmp0:
0x3d: {  	s28 =	sadd.s32 $0x15080, s26;
	[sflag:s21] =	ssyncadd.s32 $0xFFFFC000;
	(pc) =	sbr.rel @p0 .LBB2_2-.Ltmp0, $4  }
0x3e: {  	[spmem:s2] =	stream.indirect.scatter.add.f32 [tilespmem:s19], [sflag:$0x4], $0x80, s28, s16, $0xb8;
	[tilespmem:$0x1E400] =	vst v63  }
0x3f: {  	_ =	swait.ge [sflag:s14], $0x4000  }
0x40: {  	[sflag:s14] =	ssyncset.done $0x0  }
0x41: {  	s26 =	sadd.s32 $0x13D80, s26;
	[sflag:s14] =	ssyncadd.s32 $0xFFFFC000  }
0x42: {  	[tilespmem:s19], [sflag:$0x2] =	stream.indirect.gather [hbm4b:s4+s16], $0x80, s26, s16, $0xb8;
	[tilespmem:$0x1E400] =	vst v63  }
0x43: {  	_ =	swait.ge [sflag:s20], $0x4000  }
0x44: {  	[sflag:s20] =	ssyncset.done $0x0  }
0x45: {  	[sflag:s20] =	ssyncadd.s32 $0xFFFFC000  }
0x46: {  	[spmem:s2] =	stream.indirect.scatter.add.f32 [tilespmem:s17], [sflag:$0x4], $0x80, s22, s16, $0xb8;
	[tilespmem:$0x1E400] =	vst v63  }
0x47: {  	_ =	swait.ge [sflag:s14], $0x4000  }
0x48: {  	[sflag:s14] =	ssyncset.done $0x0  }
0x49: {  	[sflag:s14] =	ssyncadd.s32 $0xFFFFC000  }
0x4a: {  	_ =	swait.ge [sflag:s21], $0x4000  }
0x4b: {  	[sflag:s21] =	ssyncset.done $0x0  }
0x4c: {  	[sflag:s21] =	ssyncadd.s32 $0xFFFFC000  }
0x4d: {  	[spmem:s2] =	stream.indirect.scatter.add.f32 [tilespmem:s19], [sflag:$0x4], $0x80, s23, s16, $0xb8;
	[tilespmem:$0x1E400] =	vst v63  }
0x4e: {  	_ =	swait.ge [sflag:s14], $0x4000  }
0x4f: {  	s24 =	sadd.s32 $0x1, s24;
	[sflag:s14] =	ssyncset.done $0x0  }
0x50: {  	p0 =	sne.s32 s24, s10;
	[sflag:s14] =	ssyncadd.s32 $0xFFFFC000  }
.Ltmp1:
0x51: {  	[bflag:$0x0] =	sbarrier.arrive $0xFFFF;
	(pc) =	sbr.rel @p0 .LBB2_1-.Ltmp1, $4  }
0x52: {  	[hbm:s9], [sflag:s8] =	dma.local [spmem:s13], $0x2780  }
0x53: {  	_ =	swait.ge [sflag:s14], $0x2780  }
0x54: {  	[sflag:s14] =	ssyncset.done $0x0  }
0x55: {  	[sflag:s14] =	ssyncadd.s32 $0xFFFFD880  }
0x56: {  	_ =	sfence.sel $0x180000  }
0x57: {  	[bflag:$0x0] =	sbarrier.arrive $0xFFFF  }
0x58: {  	p0 =	sne.s32 s0, $0x0;
	_ =	strace $0x90000047  }
0x59: {  	s0 =	sadd.s32 @!p0 $0x100000, s1;
	[bflag:$0x2] =	sbarrier.arrive $0xFFFF  }
0x5a: {  	[sflag:s0] =	ssyncadd.tile.s32 @!p0 $0x1;
	_ =	shalt  }
.Lfunc_end2:
_tile_overlayer_lowered:
.L_overlay_start_2:
0x5b: {  	(tag) =	ssettag $0x2  }
0x5c: {  	s0 =	rddreg [dreg:$0x0];
	s2 =	stileid.u32  }
0x5d: {  	s1 =	rddreg [dreg:$0x1];
	p0 =	sne.s32 s2, $0x0  }
0x5e: {  	s3 =	rddreg [dreg:$0x2];
	[bflag:$0x3] =	sbarrier.arrive $0xFFFF;
	s2 =	simm.s32 @!p0 $0x1C04  }
0x5f: {  	[timem:s3], [sflag:s2] =	dma.local @!p0 [hbm:s0], s1  }
0x60: {  	s0 =	simm.s32 @!p0 $0x4  }
0x61: {  	_ =	swait.ge @!p0 [sflag:s0], s1  }
0x62: {  	s1 =	ssub.s32 @!p0 $0x0, s1;
	[sflag:s0] =	ssyncset.done @!p0 $0x0  }
0x63: {  	[sflag:s0] =	ssyncadd.s32 @!p0 s1  }
0x64: {  	[bflag:$0x3] =	sbarrier.arrive $0xFFFF  }
0x65: {  	_ =	shalt  }

</sc_bundles>
